<compile_context>
chip_gen: v7x
topology: tpu7x:2x2x1
jax: 0.10.2.dev20260603
libtpu: 0.0.44.dev20260713+nightly
codegen_flags: <defaults>
</compile_context>

<pallas_src>
import functools

import jax
import jax.numpy as jnp
from jax import lax
from jax.experimental import pallas as pl
from jax.experimental.pallas import tpu as pltpu
from jax.experimental.pallas import tpu_sc as plsc

NEG_SLOPE = 0.2
NW = 32
CH = 128



def _pack_pair(lo, hi):
    lo32 = jax.lax.bitcast_convert_type(lo.astype(jnp.bfloat16), jnp.uint16).astype(jnp.uint32)
    hi32 = jax.lax.bitcast_convert_type(hi.astype(jnp.bfloat16), jnp.uint16).astype(jnp.uint32)
    return jax.lax.bitcast_convert_type(lo32 | (hi32 << 16), jnp.float32)


def _unpack_pair(pk):
    u = jax.lax.bitcast_convert_type(pk, jnp.uint32)
    lo = jax.lax.bitcast_convert_type(u << 16, jnp.float32)
    hi = jax.lax.bitcast_convert_type(u & jnp.uint32(0xFFFF0000), jnp.float32)
    return lo, hi


def _mm_body(x_ref, wl_ref, bl_ref, wr_ref, br_ref, xc_ref):
    x = x_ref[...]
    hd = wl_ref.shape[1] // 2
    xl = jnp.dot(x, wl_ref[...], preferred_element_type=jnp.float32) + bl_ref[...]
    xr = jnp.dot(x, wr_ref[...], preferred_element_type=jnp.float32) + br_ref[...]
    xc_ref[...] = jnp.concatenate(
        [_pack_pair(xl[:, :hd], xl[:, hd:]), _pack_pair(xr[:, :hd], xr[:, hd:])],
        axis=1)


def _transforms(x, W_l, b_l, W_r, b_r, BN=1000):
    N, D = x.shape
    grid = N // BN
    return pl.pallas_call(
        _mm_body,
        grid=(grid,),
        in_specs=[
            pl.BlockSpec((BN, D), lambda i: (i, 0)),
            pl.BlockSpec((D, D), lambda i: (0, 0)),
            pl.BlockSpec((1, D), lambda i: (0, 0)),
            pl.BlockSpec((D, D), lambda i: (0, 0)),
            pl.BlockSpec((1, D), lambda i: (0, 0)),
        ],
        out_specs=pl.BlockSpec((BN, D), lambda i: (i, 0)),
        out_shape=jax.ShapeDtypeStruct((N, D), jnp.float32),
    )(x, W_l, b_l.reshape(1, D), W_r, b_r.reshape(1, D))



def _make_gather(Mp, N, D, nchunk):
    mesh = plsc.VectorSubcoreMesh(core_axis_name="c", subcore_axis_name="s")
    PD = D // 2

    @functools.partial(
        pl.kernel,
        mesh=mesh,
        out_type=jax.ShapeDtypeStruct((Mp, D), jnp.float32),
        scratch_types=[
            pltpu.VMEM((nchunk, CH), jnp.int32),
            pltpu.VMEM((nchunk, CH), jnp.int32),
            pltpu.VMEM((CH, D), jnp.float32),
            pltpu.VMEM((CH, D), jnp.float32),
            pltpu.VMEM((CH, D), jnp.float32),
            pltpu.VMEM((CH, D), jnp.float32),
            pltpu.SemaphoreType.DMA,
            pltpu.SemaphoreType.DMA,
            pltpu.SemaphoreType.DMA,
            pltpu.SemaphoreType.DMA,
        ],
    )
    def gather_k(xc_hbm, src2_hbm, dstg2_hbm, cout,
                 idx_s, idx_d, bufl0, bufr0, bufl1, bufr1,
                 semL0, semR0, semL1, semR1):
        wid = lax.axis_index("s") * 2 + lax.axis_index("c")
        rowbase = wid * nchunk
        pltpu.sync_copy(src2_hbm.at[wid], idx_s)
        pltpu.sync_copy(dstg2_hbm.at[wid], idx_d)

        bufs = ((bufl0, bufr0, semL0, semR0), (bufl1, bufr1, semL1, semR1))

        def issue(j, b):
            bl, br, sl, sr = bufs[b]
            pltpu.async_copy(xc_hbm.at[idx_s.at[j]], bl, sl)
            pltpu.async_copy(xc_hbm.at[idx_d.at[j]], br, sr)

        def wait_g(b):
            bl, br, sl, sr = bufs[b]
            pltpu.make_async_copy(xc_hbm.at[pl.ds(0, CH)], bl, sl).wait()
            pltpu.make_async_copy(xc_hbm.at[pl.ds(0, CH)], br, sr).wait()

        def drain(j, b):
            bl, br, _, _ = bufs[b]
            wait_g(b)
            mbase = (rowbase + j) * CH
            def merge(i, _):
                for c in range(PD // 16):
                    br[i, pl.ds(c * 16, 16)] = bl[i, pl.ds(c * 16, 16)]
                return 0
            lax.fori_loop(0, CH, merge, 0)
            pltpu.sync_copy(br, cout.at[pl.ds(mbase, CH)])

        issue(0, 0)
        issue(1, 1)

        def body2(j2, _):
            j = j2 * 2
            drain(j, 0)

            @pl.when(j + 2 < nchunk)
            def _():
                issue(j + 2, 0)

            drain(j + 1, 1)

            @pl.when(j + 3 < nchunk)
            def _():
                issue(j + 3, 1)
            return 0

        lax.fori_loop(0, nchunk // 2, body2, 0)
        if nchunk % 2:
            drain(nchunk - 1, (nchunk - 1) % 2)

    return gather_k



def _logits_body(cg_ref, atp_ref, gp_ref, lg_ref, gmax_ref):
    i = pl.program_id(0)
    PD = cg_ref.shape[1] // 2
    le, lo = _unpack_pair(cg_ref[:, :PD])
    re, ro = _unpack_pair(cg_ref[:, PD:])
    se = le + re
    so = lo + ro
    se = jnp.where(se >= 0, se, NEG_SLOPE * se) * atp_ref[0:1, :PD]
    so = jnp.where(so >= 0, so, NEG_SLOPE * so) * atp_ref[0:1, PD:]
    lg = (jnp.dot(se, gp_ref[:PD, :], preferred_element_type=jnp.float32)
          + jnp.dot(so, gp_ref[PD:, :], preferred_element_type=jnp.float32))
    lg_ref[...] = lg

    @pl.when(i == 0)
    def _():
        gmax_ref[...] = jnp.full_like(gmax_ref, -jnp.inf)

    gmax_ref[...] = jnp.maximum(gmax_ref[...], jnp.max(lg))


def _logits(cg, atp, Gp, BM=2048):
    Mp, D = cg.shape
    H = Gp.shape[1]
    return pl.pallas_call(
        _logits_body,
        grid=(Mp // BM,),
        in_specs=[
            pl.BlockSpec((BM, D), lambda i: (i, 0)),
            pl.BlockSpec((1, D), lambda i: (0, 0)),
            pl.BlockSpec((D, H), lambda i: (0, 0)),
        ],
        out_specs=[
            pl.BlockSpec((BM, H), lambda i: (i, 0)),
            pl.BlockSpec((1, D), lambda i: (0, 0)),
        ],
        out_shape=[
            jax.ShapeDtypeStruct((Mp, H), jnp.float32),
            jax.ShapeDtypeStruct((1, D), jnp.float32),
        ],
    )(cg, atp, Gp)



def _weights_body(cg_ref, lg_ref, gmax_ref, ehd_ref, w_ref, pe_ref):
    PD = cg_ref.shape[1] // 2
    p = jnp.exp(lg_ref[...] - jnp.max(gmax_ref[...]))
    pe = jnp.dot(p, ehd_ref[...], preferred_element_type=jnp.float32)
    le, lo = _unpack_pair(cg_ref[:, :PD])
    pe_ref[...] = pe
    w_ref[...] = jnp.concatenate([le * pe[:, :PD], lo * pe[:, PD:]], axis=1)


def _weights(cg, lg, gmax, EhdP, BM=2048):
    Mp, D = cg.shape
    H = lg.shape[1]
    return pl.pallas_call(
        _weights_body,
        grid=(Mp // BM,),
        in_specs=[
            pl.BlockSpec((BM, D), lambda i: (i, 0)),
            pl.BlockSpec((BM, H), lambda i: (i, 0)),
            pl.BlockSpec((1, D), lambda i: (0, 0)),
            pl.BlockSpec((H, D), lambda i: (0, 0)),
        ],
        out_specs=[
            pl.BlockSpec((BM, D), lambda i: (i, 0)),
            pl.BlockSpec((BM, D), lambda i: (i, 0)),
        ],
        out_shape=[
            jax.ShapeDtypeStruct((Mp, D), jnp.float32),
            jax.ShapeDtypeStruct((Mp, D), jnp.float32),
        ],
    )(cg, lg, gmax, EhdP)



def _make_scatter(Mp, Np, D, nchunk):
    mesh = plsc.VectorSubcoreMesh(core_axis_name="c", subcore_axis_name="s")
    stripe = Np // 16
    nz = stripe // CH

    @functools.partial(
        pl.kernel,
        mesh=mesh,
        out_type=[
            jax.ShapeDtypeStruct((Np, D), jnp.float32),
            jax.ShapeDtypeStruct((Np, D), jnp.float32),
        ],
        scratch_types=[
            pltpu.VMEM((1, CH), jnp.int32),
            pltpu.VMEM((1, CH), jnp.int32),
            pltpu.VMEM((CH, D), jnp.float32),
            pltpu.VMEM((CH, D), jnp.float32),
            pltpu.VMEM_SHARED((Np, D), jnp.float32),
            pltpu.SemaphoreType.DMA,
            pltpu.SemaphoreType.DMA,
            pltpu.SemaphoreType.DMA,
            pltpu.SemaphoreType.DMA,
        ],
    )
    def scatter_k(w_hbm, pe_hbm, dsts2_hbm, acc_out, den_out,
                  idxb0, idxb1, wbuf, wbuf1, tab_sh, sem, sem1, semI0, semI1):
        cid = lax.axis_index("c")
        sid = lax.axis_index("s")
        rowbase = sid * nchunk

        def zrow(i, _):
            def zcol(c, _):
                wbuf[i, pl.ds(c * 16, 16)] = jnp.zeros((16,), jnp.float32)
                return 0
            lax.fori_loop(0, D // 16, zcol, 0)
            return 0
        lax.fori_loop(0, CH, zrow, 0)

        def zstripe(k, _):
            pltpu.sync_copy(wbuf, tab_sh.at[pl.ds(sid * stripe + k * CH, CH)])
            return 0
        lax.fori_loop(0, nz, zstripe, 0)
        plsc.subcore_barrier()

        bufs = ((wbuf, sem, idxb0, semI0), (wbuf1, sem1, idxb1, semI1))

        def run_from(src_hbm):
            def issue(j, b):
                bb, ss, ib, si = bufs[b]
                pltpu.async_copy(dsts2_hbm.at[sid, pl.ds(j, 1)], ib, si)
                pltpu.async_copy(src_hbm.at[pl.ds((rowbase + j) * CH, CH)], bb, ss)

            def drain(j, b):
                bb, ss, ib, si = bufs[b]
                pltpu.make_async_copy(dsts2_hbm.at[sid, pl.ds(0, 1)], ib, si).wait()
                pltpu.make_async_copy(src_hbm.at[pl.ds(0, CH)], bb, ss).wait()
                pltpu.sync_copy(bb, tab_sh.at[ib.at[0]], add=True)

            issue(0, 0)
            issue(1, 1)

            def body2(j2, _):
                j = j2 * 2
                drain(j, 0)

                @pl.when(j + 2 < nchunk)
                def _():
                    issue(j + 2, 0)

                drain(j + 1, 1)

                @pl.when(j + 3 < nchunk)
                def _():
                    issue(j + 3, 1)
                return 0

            lax.fori_loop(0, nchunk // 2, body2, 0)
            if nchunk % 2:
                drain(nchunk - 1, (nchunk - 1) % 2)

        @pl.when(cid == 0)
        def _():
            run_from(w_hbm)

        @pl.when(cid == 1)
        def _():
            run_from(pe_hbm)

        plsc.subcore_barrier()

        def dump_to(dst_hbm):
            def dump(k, _):
                off = sid * stripe + k * CH
                pltpu.sync_copy(tab_sh.at[pl.ds(off, CH)],
                                dst_hbm.at[pl.ds(off, CH)])
                return 0
            return dump

        @pl.when(cid == 0)
        def _():
            lax.fori_loop(0, nz, dump_to(acc_out), 0)

        @pl.when(cid == 1)
        def _():
            lax.fori_loop(0, nz, dump_to(den_out), 0)

    return scatter_k



def _final_body(x_ref, acc_ref, den_ref, bias_ref, gamma_ref, beta_ref, out_ref):
    y = x_ref[...] + acc_ref[...] / (den_ref[...] + 1e-16) + bias_ref[...]
    mu = jnp.mean(y, axis=1, keepdims=True)
    yc = y - mu
    var = jnp.mean(yc * yc, axis=1, keepdims=True)
    out_ref[...] = gamma_ref[...] * yc * jax.lax.rsqrt(var + 1e-5) + beta_ref[...]


def _finalize(x, acc, den, bias, gamma, beta, BN=1000):
    N, D = x.shape
    return pl.pallas_call(
        _final_body,
        grid=(N // BN,),
        in_specs=[
            pl.BlockSpec((BN, D), lambda i: (i, 0)),
            pl.BlockSpec((BN, D), lambda i: (i, 0)),
            pl.BlockSpec((BN, D), lambda i: (i, 0)),
            pl.BlockSpec((1, D), lambda i: (0, 0)),
            pl.BlockSpec((1, D), lambda i: (0, 0)),
            pl.BlockSpec((1, D), lambda i: (0, 0)),
        ],
        out_specs=pl.BlockSpec((BN, D), lambda i: (i, 0)),
        out_shape=jax.ShapeDtypeStruct((N, D), jnp.float32),
    )(x, acc, den, bias.reshape(1, D), gamma.reshape(1, D), beta.reshape(1, D))



def kernel(x, edge_index, W_l, b_l, W_r, b_r, att, bias, gamma, beta):
    N, D = x.shape
    H, C = att.shape
    E = edge_index.shape[1]
    M = E + N
    Mp = ((M + NW * CH - 1) // (NW * CH)) * (NW * CH)
    nchunk = Mp // (NW * CH)
    nchunk_s = Mp // (16 * CH)
    Np = ((N + 1 + 16 * CH - 1) // (16 * CH)) * (16 * CH)

    sl = jnp.arange(N, dtype=edge_index.dtype)
    src = jnp.concatenate([edge_index[0], sl])
    dst = jnp.concatenate([edge_index[1], sl])
    pad = Mp - M
    src_p = jnp.pad(src, (0, pad)).reshape(NW, nchunk, CH)
    dstg_p = jnp.pad(dst, (0, pad)).reshape(NW, nchunk, CH)
    dsts_p = jnp.pad(dst, (0, pad), constant_values=N).reshape(16, nchunk_s, CH)

    perm = jnp.concatenate([jnp.arange(0, D, 2), jnp.arange(1, D, 2)])
    inv_perm = jnp.argsort(perm)

    eyeH = jnp.eye(H, dtype=jnp.float32)
    Ehd = jnp.repeat(eyeH, C, axis=1)
    EhdP = Ehd[:, perm]
    Gp = Ehd.T[perm, :]
    atp = att.reshape(1, H * C)[:, perm]

    xc = _transforms(x, W_l[:, perm], b_l[perm], W_r[:, perm], b_r[perm])
    cg = _make_gather(Mp, N, D, nchunk)(xc, src_p, dstg_p)
    lg, gmax = _logits(cg, atp, Gp)
    w, pe = _weights(cg, lg, gmax, EhdP)
    acc, den = _make_scatter(Mp, Np, D, nchunk_s)(w, pe, dsts_p)
    out_p = _finalize(x[:, perm], acc[:N], den[:N], bias[perm], gamma[perm],
                      beta[perm])
    return out_p[:, inv_perm]

# --- scband reference (transcript-rebuilt; emitter-appended) ---
"""Pipeline reference for scband-robust-attention-head-20538533609918 (READ-ONLY COPY).

The authoritative reference and input builder live on the scoring server;
editing this copy changes nothing except your own understanding.
"""

import jax, jax.numpy as jnp
import numpy as np

NEG_SLOPE = 0.2

def setup_inputs(seed: int = 0):
    key = jax.random.key(seed)
    ks = jax.random.split(key, 12)
    N, D, H, C, E = 10000, 128, 8, 16, 320000
    s = 1.0 / np.sqrt(D)
    return {
        "x": jax.random.normal(ks[0], (N, D), dtype=jnp.float32),
        "edge_index": jax.random.randint(ks[1], (2, E), 0, N, dtype=jnp.int32),
        "W_l": jax.random.normal(ks[2], (D, H * C), dtype=jnp.float32) * s,
        "b_l": jnp.zeros((H * C,), dtype=jnp.float32),
        "W_r": jax.random.normal(ks[3], (D, H * C), dtype=jnp.float32) * s,
        "b_r": jnp.zeros((H * C,), dtype=jnp.float32),
        "att": jax.random.normal(ks[4], (H, C), dtype=jnp.float32) * (1.0 / np.sqrt(C)),
        "bias": jnp.zeros((H * C,), dtype=jnp.float32),
        "gamma": jnp.ones((D,), dtype=jnp.float32),
        "beta": jnp.zeros((D,), dtype=jnp.float32),
    }

def reference(x, edge_index, W_l, b_l, W_r, b_r, att, bias, gamma, beta):
    # GATv2Conv (concat=True, add_self_loops=True, negative_slope=0.2, dropout=0.0)
    N = x.shape[0]
    H, C = att.shape
    sl = jnp.arange(N, dtype=edge_index.dtype)
    src = jnp.concatenate([edge_index[0], sl])  # message source j
    dst = jnp.concatenate([edge_index[1], sl])  # message target i
    xl = (x @ W_l + b_l).reshape(N, H, C)  # source transform
    xr = (x @ W_r + b_r).reshape(N, H, C)  # target transform
    e = jax.nn.leaky_relu(xl[src] + xr[dst], NEG_SLOPE)  # [E,H,C]
    logits = jnp.einsum('ehc,hc->eh', e, att)  # [E,H]
    # softmax over incoming edges per destination node (numerically stable)
    m = jax.lax.stop_gradient(jax.ops.segment_max(logits, dst, num_segments=N))
    p = jnp.exp(logits - m[dst])
    denom = jax.ops.segment_sum(p, dst, num_segments=N)
    alpha = p / (denom[dst] + 1e-16)
    out = jax.ops.segment_sum(xl[src] * alpha[:, :, None], dst, num_segments=N)
    out = out.reshape(N, H * C) + bias
    # residual + LayerNorm
    y = x + out
    mu = jnp.mean(y, axis=-1, keepdims=True)
    var = jnp.var(y, axis=-1, keepdims=True)
    return gamma * (y - mu) / jnp.sqrt(var + 1e-5) + beta

if __name__ == "__main__":
    import jax
    _d = setup_inputs()
    print(jax.jit(kernel)(*tuple(_d.values())))

</pallas_src>

<mosaic_0001>
#map = affine_map<(d0, d1) -> (0, 0)>
#map1 = affine_map<(d0, d1) -> (0, 0, 0)>
module attributes {stable_mosaic.version = 14 : i64} {
  func.func @gather_k(%arg0: i32, %arg1: i32, %arg2: memref<10000x128xf32, #tpu.memory_space<hbm>>, %arg3: memref<32x81x128xi32, #tpu.memory_space<hbm>>, %arg4: memref<32x81x128xi32, #tpu.memory_space<hbm>>, %arg5: memref<331776x128xf32, #tpu.memory_space<hbm>>, %arg6: memref<81x128xi32, #tpu.memory_space<vmem>>, %arg7: memref<81x128xi32, #tpu.memory_space<vmem>>, %arg8: memref<128x128xf32, #tpu.memory_space<vmem>>, %arg9: memref<128x128xf32, #tpu.memory_space<vmem>>, %arg10: memref<128x128xf32, #tpu.memory_space<vmem>>, %arg11: memref<128x128xf32, #tpu.memory_space<vmem>>, %arg12: memref<!tpu.dma_semaphore, #tpu.memory_space<semaphore_mem>>, %arg13: memref<!tpu.dma_semaphore, #tpu.memory_space<semaphore_mem>>, %arg14: memref<!tpu.dma_semaphore, #tpu.memory_space<semaphore_mem>>, %arg15: memref<!tpu.dma_semaphore, #tpu.memory_space<semaphore_mem>>) attributes {dimension_semantics = [#tpu.dimension_semantics<core_parallel>, #tpu.dimension_semantics<subcore_parallel>], iteration_bounds = array<i64: 2, 16>, scalar_prefetch = 0 : i64, scratch_operands = 10 : i64, tpu.core_type = #tpu.core_type<sc_vector_subcore>, window_params = [{transform_indices = #map}, {transform_indices = #map1}, {transform_indices = #map1}, {transform_indices = #map}]} {
    %mul3A = arith.constant 2 : i32
    %mul3A_0 = arith.muli %arg1, %mul3A : i32
    %add3A = arith.addi %mul3A_0, %arg0 : i32
    %mul3A_1 = arith.constant 81 : i32
    %mul3A_2 = arith.muli %add3A, %mul3A_1 : i32
    "tpu.region"() ({
      %run_scoped3A = tpu.sem_alloc : memref<!tpu.dma_semaphore, #tpu.memory_space<semaphore_mem>>
      %dma_start3A_58 = arith.constant 0 : i32
      %dma_start3A_59 = arith.constant 0 : i32
      %dma_start3A_60 = tpu.memref_slice %arg3[%add3A, %dma_start3A_58, %dma_start3A_59] : memref<32x81x128xi32, #tpu.memory_space<hbm>> -> memref<1x81x128xi32, #tpu.memory_space<hbm>>
      %dma_start3A_61 = tpu.memref_squeeze %dma_start3A_60 : memref<1x81x128xi32, #tpu.memory_space<hbm>> -> memref<81x128xi32, #tpu.memory_space<hbm>>
      %dma_start3A_62 = arith.constant 0 : i32
      %dma_start3A_63 = arith.constant 0 : i32
      %dma_start3A_64 = tpu.memref_slice %arg3[%add3A, %dma_start3A_62, %dma_start3A_63] : memref<32x81x128xi32, #tpu.memory_space<hbm>> -> memref<1x81x128xi32, #tpu.memory_space<hbm>>
      %dma_start3A_65 = tpu.memref_squeeze %dma_start3A_64 : memref<1x81x128xi32, #tpu.memory_space<hbm>> -> memref<81x128xi32, #tpu.memory_space<hbm>>
      tpu.enqueue_dma source(%dma_start3A_65 : memref<81x128xi32, #tpu.memory_space<hbm>>) target(%arg6 : memref<81x128xi32, #tpu.memory_space<vmem>>) target_semaphore(%run_scoped3A : memref<!tpu.dma_semaphore, #tpu.memory_space<semaphore_mem>>)
      %dma_wait3A_66 = arith.constant 0 : i32
      %dma_wait3A_67 = arith.constant 0 : i32
      %dma_wait3A_68 = tpu.memref_slice %arg3[%add3A, %dma_wait3A_66, %dma_wait3A_67] : memref<32x81x128xi32, #tpu.memory_space<hbm>> -> memref<1x81x128xi32, #tpu.memory_space<hbm>>
      %dma_wait3A_69 = tpu.memref_squeeze %dma_wait3A_68 : memref<1x81x128xi32, #tpu.memory_space<hbm>> -> memref<81x128xi32, #tpu.memory_space<hbm>>
      %dma_wait3A_70 = arith.constant 0 : i32
      %dma_wait3A_71 = arith.constant 0 : i32
      %dma_wait3A_72 = tpu.memref_slice %arg3[%add3A, %dma_wait3A_70, %dma_wait3A_71] : memref<32x81x128xi32, #tpu.memory_space<hbm>> -> memref<1x81x128xi32, #tpu.memory_space<hbm>>
      %dma_wait3A_73 = tpu.memref_squeeze %dma_wait3A_72 : memref<1x81x128xi32, #tpu.memory_space<hbm>> -> memref<81x128xi32, #tpu.memory_space<hbm>>
      tpu.wait_dma2 semaphore(%run_scoped3A : memref<!tpu.dma_semaphore, #tpu.memory_space<semaphore_mem>>) src(%dma_wait3A_73 : memref<81x128xi32, #tpu.memory_space<hbm>>) dst(%arg6 : memref<81x128xi32, #tpu.memory_space<vmem>>)
      tpu.yield
    }) : () -> ()
    "tpu.region"() ({
      %run_scoped3A = tpu.sem_alloc : memref<!tpu.dma_semaphore, #tpu.memory_space<semaphore_mem>>
      %dma_start3A_58 = arith.constant 0 : i32
      %dma_start3A_59 = arith.constant 0 : i32
      %dma_start3A_60 = tpu.memref_slice %arg4[%add3A, %dma_start3A_58, %dma_start3A_59] : memref<32x81x128xi32, #tpu.memory_space<hbm>> -> memref<1x81x128xi32, #tpu.memory_space<hbm>>
      %dma_start3A_61 = tpu.memref_squeeze %dma_start3A_60 : memref<1x81x128xi32, #tpu.memory_space<hbm>> -> memref<81x128xi32, #tpu.memory_space<hbm>>
      %dma_start3A_62 = arith.constant 0 : i32
      %dma_start3A_63 = arith.constant 0 : i32
      %dma_start3A_64 = tpu.memref_slice %arg4[%add3A, %dma_start3A_62, %dma_start3A_63] : memref<32x81x128xi32, #tpu.memory_space<hbm>> -> memref<1x81x128xi32, #tpu.memory_space<hbm>>
      %dma_start3A_65 = tpu.memref_squeeze %dma_start3A_64 : memref<1x81x128xi32, #tpu.memory_space<hbm>> -> memref<81x128xi32, #tpu.memory_space<hbm>>
      tpu.enqueue_dma source(%dma_start3A_65 : memref<81x128xi32, #tpu.memory_space<hbm>>) target(%arg7 : memref<81x128xi32, #tpu.memory_space<vmem>>) target_semaphore(%run_scoped3A : memref<!tpu.dma_semaphore, #tpu.memory_space<semaphore_mem>>)
      %dma_wait3A_66 = arith.constant 0 : i32
      %dma_wait3A_67 = arith.constant 0 : i32
      %dma_wait3A_68 = tpu.memref_slice %arg4[%add3A, %dma_wait3A_66, %dma_wait3A_67] : memref<32x81x128xi32, #tpu.memory_space<hbm>> -> memref<1x81x128xi32, #tpu.memory_space<hbm>>
      %dma_wait3A_69 = tpu.memref_squeeze %dma_wait3A_68 : memref<1x81x128xi32, #tpu.memory_space<hbm>> -> memref<81x128xi32, #tpu.memory_space<hbm>>
      %dma_wait3A_70 = arith.constant 0 : i32
      %dma_wait3A_71 = arith.constant 0 : i32
      %dma_wait3A_72 = tpu.memref_slice %arg4[%add3A, %dma_wait3A_70, %dma_wait3A_71] : memref<32x81x128xi32, #tpu.memory_space<hbm>> -> memref<1x81x128xi32, #tpu.memory_space<hbm>>
      %dma_wait3A_73 = tpu.memref_squeeze %dma_wait3A_72 : memref<1x81x128xi32, #tpu.memory_space<hbm>> -> memref<81x128xi32, #tpu.memory_space<hbm>>
      tpu.wait_dma2 semaphore(%run_scoped3A : memref<!tpu.dma_semaphore, #tpu.memory_space<semaphore_mem>>) src(%dma_wait3A_73 : memref<81x128xi32, #tpu.memory_space<hbm>>) dst(%arg7 : memref<81x128xi32, #tpu.memory_space<vmem>>)
      tpu.yield
    }) : () -> ()
    %dma_start3A = arith.constant 0 : i32
    %dma_start3A_3 = arith.constant 0 : i32
    %dma_start3A_4 = tpu.memref_slice %arg6[%dma_start3A, %dma_start3A_3] : memref<81x128xi32, #tpu.memory_space<vmem>> -> memref<1x128xi32, #tpu.memory_space<vmem>>
    %dma_start3A_5 = tpu.memref_squeeze %dma_start3A_4 : memref<1x128xi32, #tpu.memory_space<vmem>> -> memref<128xi32, #tpu.memory_space<vmem>>
    %dma_start3A_6 = arith.constant 0 : i32
    %dma_start3A_7 = arith.constant 0 : i32
    %dma_start3A_8 = tpu.memref_slice %arg2[%dma_start3A_6, %dma_start3A_7] : memref<10000x128xf32, #tpu.memory_space<hbm>> -> memref<10000x128xf32, #tpu.memory_space<hbm>>
    tpu.enqueue_indirect_dma source(%dma_start3A_8 : memref<10000x128xf32, #tpu.memory_space<hbm>>) target(%arg8 : memref<128x128xf32, #tpu.memory_space<vmem>>) offsets(%dma_start3A_5 : memref<128xi32, #tpu.memory_space<vmem>>) semaphore(%arg12 : memref<!tpu.dma_semaphore, #tpu.memory_space<semaphore_mem>>)
    %dma_start3A_9 = arith.constant 0 : i32
    %dma_start3A_10 = arith.constant 0 : i32
    %dma_start3A_11 = tpu.memref_slice %arg7[%dma_start3A_9, %dma_start3A_10] : memref<81x128xi32, #tpu.memory_space<vmem>> -> memref<1x128xi32, #tpu.memory_space<vmem>>
    %dma_start3A_12 = tpu.memref_squeeze %dma_start3A_11 : memref<1x128xi32, #tpu.memory_space<vmem>> -> memref<128xi32, #tpu.memory_space<vmem>>
    %dma_start3A_13 = arith.constant 0 : i32
    %dma_start3A_14 = arith.constant 0 : i32
    %dma_start3A_15 = tpu.memref_slice %arg2[%dma_start3A_13, %dma_start3A_14] : memref<10000x128xf32, #tpu.memory_space<hbm>> -> memref<10000x128xf32, #tpu.memory_space<hbm>>
    tpu.enqueue_indirect_dma source(%dma_start3A_15 : memref<10000x128xf32, #tpu.memory_space<hbm>>) target(%arg9 : memref<128x128xf32, #tpu.memory_space<vmem>>) offsets(%dma_start3A_12 : memref<128xi32, #tpu.memory_space<vmem>>) semaphore(%arg13 : memref<!tpu.dma_semaphore, #tpu.memory_space<semaphore_mem>>)
    %dma_start3A_16 = arith.constant 1 : i32
    %dma_start3A_17 = arith.constant 0 : i32
    %dma_start3A_18 = tpu.memref_slice %arg6[%dma_start3A_16, %dma_start3A_17] : memref<81x128xi32, #tpu.memory_space<vmem>> -> memref<1x128xi32, #tpu.memory_space<vmem>>
    %dma_start3A_19 = tpu.memref_squeeze %dma_start3A_18 : memref<1x128xi32, #tpu.memory_space<vmem>> -> memref<128xi32, #tpu.memory_space<vmem>>
    %dma_start3A_20 = arith.constant 0 : i32
    %dma_start3A_21 = arith.constant 0 : i32
    %dma_start3A_22 = tpu.memref_slice %arg2[%dma_start3A_20, %dma_start3A_21] : memref<10000x128xf32, #tpu.memory_space<hbm>> -> memref<10000x128xf32, #tpu.memory_space<hbm>>
    tpu.enqueue_indirect_dma source(%dma_start3A_22 : memref<10000x128xf32, #tpu.memory_space<hbm>>) target(%arg10 : memref<128x128xf32, #tpu.memory_space<vmem>>) offsets(%dma_start3A_19 : memref<128xi32, #tpu.memory_space<vmem>>) semaphore(%arg14 : memref<!tpu.dma_semaphore, #tpu.memory_space<semaphore_mem>>)
    %dma_start3A_23 = arith.constant 1 : i32
    %dma_start3A_24 = arith.constant 0 : i32
    %dma_start3A_25 = tpu.memref_slice %arg7[%dma_start3A_23, %dma_start3A_24] : memref<81x128xi32, #tpu.memory_space<vmem>> -> memref<1x128xi32, #tpu.memory_space<vmem>>
    %dma_start3A_26 = tpu.memref_squeeze %dma_start3A_25 : memref<1x128xi32, #tpu.memory_space<vmem>> -> memref<128xi32, #tpu.memory_space<vmem>>
    %dma_start3A_27 = arith.constant 0 : i32
    %dma_start3A_28 = arith.constant 0 : i32
    %dma_start3A_29 = tpu.memref_slice %arg2[%dma_start3A_27, %dma_start3A_28] : memref<10000x128xf32, #tpu.memory_space<hbm>> -> memref<10000x128xf32, #tpu.memory_space<hbm>>
    tpu.enqueue_indirect_dma source(%dma_start3A_29 : memref<10000x128xf32, #tpu.memory_space<hbm>>) target(%arg11 : memref<128x128xf32, #tpu.memory_space<vmem>>) offsets(%dma_start3A_26 : memref<128xi32, #tpu.memory_space<vmem>>) semaphore(%arg15 : memref<!tpu.dma_semaphore, #tpu.memory_space<semaphore_mem>>)
    %scan3A = arith.constant 0 : i32
    %scan3A_30 = arith.constant 0 : i32
    %scan3A_31 = arith.constant 40 : i32
    %scan3A_32 = arith.addi %scan3A_30, %scan3A_31 : i32
    %scan3A_33 = arith.constant 1 : i32
    %scan3A_34 = scf.for %scan3A_58 = %scan3A_30 to %scan3A_32 step %scan3A_33 iter_args(%scan3A_59 = %scan3A) -> (i32)  : i32 {
      %mul3A_60 = arith.constant 2 : i32
      %mul3A_61 = arith.muli %scan3A_58, %mul3A_60 : i32
      %dma_wait3A_62 = arith.constant 0 : i32
      %dma_wait3A_63 = arith.constant 0 : i32
      %dma_wait3A_64 = tpu.memref_slice %arg2[%dma_wait3A_62, %dma_wait3A_63] : memref<10000x128xf32, #tpu.memory_space<hbm>> -> memref<128x128xf32, #tpu.memory_space<hbm>>
      %dma_wait3A_65 = arith.constant 0 : i32
      %dma_wait3A_66 = arith.constant 0 : i32
      %dma_wait3A_67 = tpu.memref_slice %arg2[%dma_wait3A_65, %dma_wait3A_66] : memref<10000x128xf32, #tpu.memory_space<hbm>> -> memref<128x128xf32, #tpu.memory_space<hbm>>
      tpu.wait_dma2 semaphore(%arg12 : memref<!tpu.dma_semaphore, #tpu.memory_space<semaphore_mem>>) src(%dma_wait3A_67 : memref<128x128xf32, #tpu.memory_space<hbm>>) dst(%arg8 : memref<128x128xf32, #tpu.memory_space<vmem>>)
      %dma_wait3A_68 = arith.constant 0 : i32
      %dma_wait3A_69 = arith.constant 0 : i32
      %dma_wait3A_70 = tpu.memref_slice %arg2[%dma_wait3A_68, %dma_wait3A_69] : memref<10000x128xf32, #tpu.memory_space<hbm>> -> memref<128x128xf32, #tpu.memory_space<hbm>>
      %dma_wait3A_71 = arith.constant 0 : i32
      %dma_wait3A_72 = arith.constant 0 : i32
      %dma_wait3A_73 = tpu.memref_slice %arg2[%dma_wait3A_71, %dma_wait3A_72] : memref<10000x128xf32, #tpu.memory_space<hbm>> -> memref<128x128xf32, #tpu.memory_space<hbm>>
      tpu.wait_dma2 semaphore(%arg13 : memref<!tpu.dma_semaphore, #tpu.memory_space<semaphore_mem>>) src(%dma_wait3A_73 : memref<128x128xf32, #tpu.memory_space<hbm>>) dst(%arg9 : memref<128x128xf32, #tpu.memory_space<vmem>>)
      %add3A_74 = arith.addi %mul3A_2, %mul3A_61 : i32
      %mul3A_75 = arith.constant 128 : i32
      %mul3A_76 = arith.muli %add3A_74, %mul3A_75 : i32
      %scan3A_77 = arith.constant 0 : i32
      %scan3A_78 = arith.constant 0 : i32
      %scan3A_79 = arith.constant 128 : i32
      %scan3A_80 = arith.addi %scan3A_78, %scan3A_79 : i32
      %scan3A_81 = arith.constant 1 : i32
      %scan3A_82 = scf.for %scan3A_120 = %scan3A_78 to %scan3A_80 step %scan3A_81 iter_args(%scan3A_121 = %scan3A_77) -> (i32)  : i32 {
        %get3A = arith.index_cast %scan3A_120 : i32 to index
        %get3A_122 = arith.constant 0 : index
        %get3A_123 = tpu.vector_load %arg8[%get3A, %get3A_122] {strides = array<i32>} : memref<128x128xf32, #tpu.memory_space<vmem>>, vector<1x16xf32>,
        %get3A_124 = vector.shape_cast %get3A_123 : vector<1x16xf32> to vector<16xf32>
        %swap3A = arith.index_cast %scan3A_120 : i32 to index
        %swap3A_125 = arith.constant 0 : index
        %swap3A_126 = tpu.vector_load %arg9[%swap3A, %swap3A_125] {strides = array<i32>} : memref<128x128xf32, #tpu.memory_space<vmem>>, vector<1x16xf32>,
        %swap3A_127 = vector.shape_cast %swap3A_126 : vector<1x16xf32> to vector<16xf32>
        %swap3A_128 = vector.shape_cast %get3A_124 : vector<16xf32> to vector<1x16xf32>
        tpu.vector_store %arg9[%swap3A, %swap3A_125], %swap3A_128 {strides = array<i32>} : memref<128x128xf32, #tpu.memory_space<vmem>>, vector<1x16xf32>,
        %get3A_129 = arith.index_cast %scan3A_120 : i32 to index
        %get3A_130 = arith.constant 16 : index
        %get3A_131 = tpu.vector_load %arg8[%get3A_129, %get3A_130] {strides = array<i32>} : memref<128x128xf32, #tpu.memory_space<vmem>>, vector<1x16xf32>,
        %get3A_132 = vector.shape_cast %get3A_131 : vector<1x16xf32> to vector<16xf32>
        %swap3A_133 = arith.index_cast %scan3A_120 : i32 to index
        %swap3A_134 = arith.constant 16 : index
        %swap3A_135 = tpu.vector_load %arg9[%swap3A_133, %swap3A_134] {strides = array<i32>} : memref<128x128xf32, #tpu.memory_space<vmem>>, vector<1x16xf32>,
        %swap3A_136 = vector.shape_cast %swap3A_135 : vector<1x16xf32> to vector<16xf32>
        %swap3A_137 = vector.shape_cast %get3A_132 : vector<16xf32> to vector<1x16xf32>
        tpu.vector_store %arg9[%swap3A_133, %swap3A_134], %swap3A_137 {strides = array<i32>} : memref<128x128xf32, #tpu.memory_space<vmem>>, vector<1x16xf32>,
        %get3A_138 = arith.index_cast %scan3A_120 : i32 to index
        %get3A_139 = arith.constant 32 : index
        %get3A_140 = tpu.vector_load %arg8[%get3A_138, %get3A_139] {strides = array<i32>} : memref<128x128xf32, #tpu.memory_space<vmem>>, vector<1x16xf32>,
        %get3A_141 = vector.shape_cast %get3A_140 : vector<1x16xf32> to vector<16xf32>
        %swap3A_142 = arith.index_cast %scan3A_120 : i32 to index
        %swap3A_143 = arith.constant 32 : index
        %swap3A_144 = tpu.vector_load %arg9[%swap3A_142, %swap3A_143] {strides = array<i32>} : memref<128x128xf32, #tpu.memory_space<vmem>>, vector<1x16xf32>,
        %swap3A_145 = vector.shape_cast %swap3A_144 : vector<1x16xf32> to vector<16xf32>
        %swap3A_146 = vector.shape_cast %get3A_141 : vector<16xf32> to vector<1x16xf32>
        tpu.vector_store %arg9[%swap3A_142, %swap3A_143], %swap3A_146 {strides = array<i32>} : memref<128x128xf32, #tpu.memory_space<vmem>>, vector<1x16xf32>,
        %get3A_147 = arith.index_cast %scan3A_120 : i32 to index
        %get3A_148 = arith.constant 48 : index
        %get3A_149 = tpu.vector_load %arg8[%get3A_147, %get3A_148] {strides = array<i32>} : memref<128x128xf32, #tpu.memory_space<vmem>>, vector<1x16xf32>,
        %get3A_150 = vector.shape_cast %get3A_149 : vector<1x16xf32> to vector<16xf32>
        %swap3A_151 = arith.index_cast %scan3A_120 : i32 to index
        %swap3A_152 = arith.constant 48 : index
        %swap3A_153 = tpu.vector_load %arg9[%swap3A_151, %swap3A_152] {strides = array<i32>} : memref<128x128xf32, #tpu.memory_space<vmem>>, vector<1x16xf32>,
        %swap3A_154 = vector.shape_cast %swap3A_153 : vector<1x16xf32> to vector<16xf32>
        %swap3A_155 = vector.shape_cast %get3A_150 : vector<16xf32> to vector<1x16xf32>
        tpu.vector_store %arg9[%swap3A_151, %swap3A_152], %swap3A_155 {strides = array<i32>} : memref<128x128xf32, #tpu.memory_space<vmem>>, vector<1x16xf32>,
        %scan3A_156 = arith.constant 0 : i32
        scf.yield %scan3A_156 : i32
      }
      %scan3A_83 = arith.constant 128 : i32
      "tpu.region"() ({
        %run_scoped3A = tpu.sem_alloc : memref<!tpu.dma_semaphore, #tpu.memory_space<semaphore_mem>>
        %dma_start3A_120 = arith.constant 0 : i32
        %dma_start3A_121 = tpu.memref_slice %arg5[%mul3A_76, %dma_start3A_120] : memref<331776x128xf32, #tpu.memory_space<hbm>> -> memref<128x128xf32, #tpu.memory_space<hbm>>
        %dma_start3A_122 = arith.constant 0 : i32
        %dma_start3A_123 = tpu.memref_slice %arg5[%mul3A_76, %dma_start3A_122] : memref<331776x128xf32, #tpu.memory_space<hbm>> -> memref<128x128xf32, #tpu.memory_space<hbm>>
        tpu.enqueue_dma source(%arg9 : memref<128x128xf32, #tpu.memory_space<vmem>>) target(%dma_start3A_123 : memref<128x128xf32, #tpu.memory_space<hbm>>) target_semaphore(%run_scoped3A : memref<!tpu.dma_semaphore, #tpu.memory_space<semaphore_mem>>)
        %dma_wait3A_124 = arith.constant 0 : i32
        %dma_wait3A_125 = tpu.memref_slice %arg5[%mul3A_76, %dma_wait3A_124] : memref<331776x128xf32, #tpu.memory_space<hbm>> -> memref<128x128xf32, #tpu.memory_space<hbm>>
        %dma_wait3A_126 = arith.constant 0 : i32
        %dma_wait3A_127 = tpu.memref_slice %arg5[%mul3A_76, %dma_wait3A_126] : memref<331776x128xf32, #tpu.memory_space<hbm>> -> memref<128x128xf32, #tpu.memory_space<hbm>>
        tpu.wait_dma2 semaphore(%run_scoped3A : memref<!tpu.dma_semaphore, #tpu.memory_space<semaphore_mem>>) src(%arg9 : memref<128x128xf32, #tpu.memory_space<vmem>>) dst(%dma_wait3A_127 : memref<128x128xf32, #tpu.memory_space<hbm>>)
        tpu.yield
      }) : () -> ()
      %add3A_84 = arith.constant 2 : i32
      %add3A_85 = arith.addi %mul3A_61, %add3A_84 : i32
      %lt3A = arith.constant 81 : i32
      %lt3A_86 = arith.cmpi slt, %add3A_85, %lt3A : i32
      %convert_element_type3A = arith.extui %lt3A_86 : i1 to i32
      %cond3A = arith.constant 0 : i32
      %cond3A_87 = arith.cmpi ne, %convert_element_type3A, %cond3A : i32
      scf.if %cond3A_87 {
        %add3A_120 = arith.constant 2 : i32
        %add3A_121 = arith.addi %mul3A_61, %add3A_120 : i32
        %dma_start3A_122 = arith.constant 0 : i32
        %dma_start3A_123 = tpu.memref_slice %arg6[%add3A_121, %dma_start3A_122] : memref<81x128xi32, #tpu.memory_space<vmem>> -> memref<1x128xi32, #tpu.memory_space<vmem>>
        %dma_start3A_124 = tpu.memref_squeeze %dma_start3A_123 : memref<1x128xi32, #tpu.memory_space<vmem>> -> memref<128xi32, #tpu.memory_space<vmem>>
        %dma_start3A_125 = arith.constant 0 : i32
        %dma_start3A_126 = arith.constant 0 : i32
        %dma_start3A_127 = tpu.memref_slice %arg2[%dma_start3A_125, %dma_start3A_126] : memref<10000x128xf32, #tpu.memory_space<hbm>> -> memref<10000x128xf32, #tpu.memory_space<hbm>>
        tpu.enqueue_indirect_dma source(%dma_start3A_127 : memref<10000x128xf32, #tpu.memory_space<hbm>>) target(%arg8 : memref<128x128xf32, #tpu.memory_space<vmem>>) offsets(%dma_start3A_124 : memref<128xi32, #tpu.memory_space<vmem>>) semaphore(%arg12 : memref<!tpu.dma_semaphore, #tpu.memory_space<semaphore_mem>>)
        %dma_start3A_128 = arith.constant 0 : i32
        %dma_start3A_129 = tpu.memref_slice %arg7[%add3A_121, %dma_start3A_128] : memref<81x128xi32, #tpu.memory_space<vmem>> -> memref<1x128xi32, #tpu.memory_space<vmem>>
        %dma_start3A_130 = tpu.memref_squeeze %dma_start3A_129 : memref<1x128xi32, #tpu.memory_space<vmem>> -> memref<128xi32, #tpu.memory_space<vmem>>
        %dma_start3A_131 = arith.constant 0 : i32
        %dma_start3A_132 = arith.constant 0 : i32
        %dma_start3A_133 = tpu.memref_slice %arg2[%dma_start3A_131, %dma_start3A_132] : memref<10000x128xf32, #tpu.memory_space<hbm>> -> memref<10000x128xf32, #tpu.memory_space<hbm>>
        tpu.enqueue_indirect_dma source(%dma_start3A_133 : memref<10000x128xf32, #tpu.memory_space<hbm>>) target(%arg9 : memref<128x128xf32, #tpu.memory_space<vmem>>) offsets(%dma_start3A_130 : memref<128xi32, #tpu.memory_space<vmem>>) semaphore(%arg13 : memref<!tpu.dma_semaphore, #tpu.memory_space<semaphore_mem>>)
      } else {
      }
      %add3A_88 = arith.constant 1 : i32
      %add3A_89 = arith.addi %mul3A_61, %add3A_88 : i32
      %dma_wait3A_90 = arith.constant 0 : i32
      %dma_wait3A_91 = arith.constant 0 : i32
      %dma_wait3A_92 = tpu.memref_slice %arg2[%dma_wait3A_90, %dma_wait3A_91] : memref<10000x128xf32, #tpu.memory_space<hbm>> -> memref<128x128xf32, #tpu.memory_space<hbm>>
      %dma_wait3A_93 = arith.constant 0 : i32
      %dma_wait3A_94 = arith.constant 0 : i32
      %dma_wait3A_95 = tpu.memref_slice %arg2[%dma_wait3A_93, %dma_wait3A_94] : memref<10000x128xf32, #tpu.memory_space<hbm>> -> memref<128x128xf32, #tpu.memory_space<hbm>>
      tpu.wait_dma2 semaphore(%arg14 : memref<!tpu.dma_semaphore, #tpu.memory_space<semaphore_mem>>) src(%dma_wait3A_95 : memref<128x128xf32, #tpu.memory_space<hbm>>) dst(%arg10 : memref<128x128xf32, #tpu.memory_space<vmem>>)
      %dma_wait3A_96 = arith.constant 0 : i32
      %dma_wait3A_97 = arith.constant 0 : i32
      %dma_wait3A_98 = tpu.memref_slice %arg2[%dma_wait3A_96, %dma_wait3A_97] : memref<10000x128xf32, #tpu.memory_space<hbm>> -> memref<128x128xf32, #tpu.memory_space<hbm>>
      %dma_wait3A_99 = arith.constant 0 : i32
      %dma_wait3A_100 = arith.constant 0 : i32
      %dma_wait3A_101 = tpu.memref_slice %arg2[%dma_wait3A_99, %dma_wait3A_100] : memref<10000x128xf32, #tpu.memory_space<hbm>> -> memref<128x128xf32, #tpu.memory_space<hbm>>
      tpu.wait_dma2 semaphore(%arg15 : memref<!tpu.dma_semaphore, #tpu.memory_space<semaphore_mem>>) src(%dma_wait3A_101 : memref<128x128xf32, #tpu.memory_space<hbm>>) dst(%arg11 : memref<128x128xf32, #tpu.memory_space<vmem>>)
      %add3A_102 = arith.addi %mul3A_2, %add3A_89 : i32
      %mul3A_103 = arith.constant 128 : i32
      %mul3A_104 = arith.muli %add3A_102, %mul3A_103 : i32
      %scan3A_105 = arith.constant 0 : i32
      %scan3A_106 = arith.constant 0 : i32
      %scan3A_107 = arith.constant 128 : i32
      %scan3A_108 = arith.addi %scan3A_106, %scan3A_107 : i32
      %scan3A_109 = arith.constant 1 : i32
      %scan3A_110 = scf.for %scan3A_120 = %scan3A_106 to %scan3A_108 step %scan3A_109 iter_args(%scan3A_121 = %scan3A_105) -> (i32)  : i32 {
        %get3A = arith.index_cast %scan3A_120 : i32 to index
        %get3A_122 = arith.constant 0 : index
        %get3A_123 = tpu.vector_load %arg10[%get3A, %get3A_122] {strides = array<i32>} : memref<128x128xf32, #tpu.memory_space<vmem>>, vector<1x16xf32>,
        %get3A_124 = vector.shape_cast %get3A_123 : vector<1x16xf32> to vector<16xf32>
        %swap3A = arith.index_cast %scan3A_120 : i32 to index
        %swap3A_125 = arith.constant 0 : index
        %swap3A_126 = tpu.vector_load %arg11[%swap3A, %swap3A_125] {strides = array<i32>} : memref<128x128xf32, #tpu.memory_space<vmem>>, vector<1x16xf32>,
        %swap3A_127 = vector.shape_cast %swap3A_126 : vector<1x16xf32> to vector<16xf32>
        %swap3A_128 = vector.shape_cast %get3A_124 : vector<16xf32> to vector<1x16xf32>
        tpu.vector_store %arg11[%swap3A, %swap3A_125], %swap3A_128 {strides = array<i32>} : memref<128x128xf32, #tpu.memory_space<vmem>>, vector<1x16xf32>,
        %get3A_129 = arith.index_cast %scan3A_120 : i32 to index
        %get3A_130 = arith.constant 16 : index
        %get3A_131 = tpu.vector_load %arg10[%get3A_129, %get3A_130] {strides = array<i32>} : memref<128x128xf32, #tpu.memory_space<vmem>>, vector<1x16xf32>,
        %get3A_132 = vector.shape_cast %get3A_131 : vector<1x16xf32> to vector<16xf32>
        %swap3A_133 = arith.index_cast %scan3A_120 : i32 to index
        %swap3A_134 = arith.constant 16 : index
        %swap3A_135 = tpu.vector_load %arg11[%swap3A_133, %swap3A_134] {strides = array<i32>} : memref<128x128xf32, #tpu.memory_space<vmem>>, vector<1x16xf32>,
        %swap3A_136 = vector.shape_cast %swap3A_135 : vector<1x16xf32> to vector<16xf32>
        %swap3A_137 = vector.shape_cast %get3A_132 : vector<16xf32> to vector<1x16xf32>
        tpu.vector_store %arg11[%swap3A_133, %swap3A_134], %swap3A_137 {strides = array<i32>} : memref<128x128xf32, #tpu.memory_space<vmem>>, vector<1x16xf32>,
        %get3A_138 = arith.index_cast %scan3A_120 : i32 to index
        %get3A_139 = arith.constant 32 : index
        %get3A_140 = tpu.vector_load %arg10[%get3A_138, %get3A_139] {strides = array<i32>} : memref<128x128xf32, #tpu.memory_space<vmem>>, vector<1x16xf32>,
        %get3A_141 = vector.shape_cast %get3A_140 : vector<1x16xf32> to vector<16xf32>
        %swap3A_142 = arith.index_cast %scan3A_120 : i32 to index
        %swap3A_143 = arith.constant 32 : index
        %swap3A_144 = tpu.vector_load %arg11[%swap3A_142, %swap3A_143] {strides = array<i32>} : memref<128x128xf32, #tpu.memory_space<vmem>>, vector<1x16xf32>,
        %swap3A_145 = vector.shape_cast %swap3A_144 : vector<1x16xf32> to vector<16xf32>
        %swap3A_146 = vector.shape_cast %get3A_141 : vector<16xf32> to vector<1x16xf32>
        tpu.vector_store %arg11[%swap3A_142, %swap3A_143], %swap3A_146 {strides = array<i32>} : memref<128x128xf32, #tpu.memory_space<vmem>>, vector<1x16xf32>,
        %get3A_147 = arith.index_cast %scan3A_120 : i32 to index
        %get3A_148 = arith.constant 48 : index
        %get3A_149 = tpu.vector_load %arg10[%get3A_147, %get3A_148] {strides = array<i32>} : memref<128x128xf32, #tpu.memory_space<vmem>>, vector<1x16xf32>,
        %get3A_150 = vector.shape_cast %get3A_149 : vector<1x16xf32> to vector<16xf32>
        %swap3A_151 = arith.index_cast %scan3A_120 : i32 to index
        %swap3A_152 = arith.constant 48 : index
        %swap3A_153 = tpu.vector_load %arg11[%swap3A_151, %swap3A_152] {strides = array<i32>} : memref<128x128xf32, #tpu.memory_space<vmem>>, vector<1x16xf32>,
        %swap3A_154 = vector.shape_cast %swap3A_153 : vector<1x16xf32> to vector<16xf32>
        %swap3A_155 = vector.shape_cast %get3A_150 : vector<16xf32> to vector<1x16xf32>
        tpu.vector_store %arg11[%swap3A_151, %swap3A_152], %swap3A_155 {strides = array<i32>} : memref<128x128xf32, #tpu.memory_space<vmem>>, vector<1x16xf32>,
        %scan3A_156 = arith.constant 0 : i32
        scf.yield %scan3A_156 : i32
      }
      %scan3A_111 = arith.constant 128 : i32
      "tpu.region"() ({
        %run_scoped3A = tpu.sem_alloc : memref<!tpu.dma_semaphore, #tpu.memory_space<semaphore_mem>>
        %dma_start3A_120 = arith.constant 0 : i32
        %dma_start3A_121 = tpu.memref_slice %arg5[%mul3A_104, %dma_start3A_120] : memref<331776x128xf32, #tpu.memory_space<hbm>> -> memref<128x128xf32, #tpu.memory_space<hbm>>
        %dma_start3A_122 = arith.constant 0 : i32
        %dma_start3A_123 = tpu.memref_slice %arg5[%mul3A_104, %dma_start3A_122] : memref<331776x128xf32, #tpu.memory_space<hbm>> -> memref<128x128xf32, #tpu.memory_space<hbm>>
        tpu.enqueue_dma source(%arg11 : memref<128x128xf32, #tpu.memory_space<vmem>>) target(%dma_start3A_123 : memref<128x128xf32, #tpu.memory_space<hbm>>) target_semaphore(%run_scoped3A : memref<!tpu.dma_semaphore, #tpu.memory_space<semaphore_mem>>)
        %dma_wait3A_124 = arith.constant 0 : i32
        %dma_wait3A_125 = tpu.memref_slice %arg5[%mul3A_104, %dma_wait3A_124] : memref<331776x128xf32, #tpu.memory_space<hbm>> -> memref<128x128xf32, #tpu.memory_space<hbm>>
        %dma_wait3A_126 = arith.constant 0 : i32
        %dma_wait3A_127 = tpu.memref_slice %arg5[%mul3A_104, %dma_wait3A_126] : memref<331776x128xf32, #tpu.memory_space<hbm>> -> memref<128x128xf32, #tpu.memory_space<hbm>>
        tpu.wait_dma2 semaphore(%run_scoped3A : memref<!tpu.dma_semaphore, #tpu.memory_space<semaphore_mem>>) src(%arg11 : memref<128x128xf32, #tpu.memory_space<vmem>>) dst(%dma_wait3A_127 : memref<128x128xf32, #tpu.memory_space<hbm>>)
        tpu.yield
      }) : () -> ()
      %add3A_112 = arith.constant 3 : i32
      %add3A_113 = arith.addi %mul3A_61, %add3A_112 : i32
      %lt3A_114 = arith.constant 81 : i32
      %lt3A_115 = arith.cmpi slt, %add3A_113, %lt3A_114 : i32
      %convert_element_type3A_116 = arith.extui %lt3A_115 : i1 to i32
      %cond3A_117 = arith.constant 0 : i32
      %cond3A_118 = arith.cmpi ne, %convert_element_type3A_116, %cond3A_117 : i32
      scf.if %cond3A_118 {
        %add3A_120 = arith.constant 3 : i32
        %add3A_121 = arith.addi %mul3A_61, %add3A_120 : i32
        %dma_start3A_122 = arith.constant 0 : i32
        %dma_start3A_123 = tpu.memref_slice %arg6[%add3A_121, %dma_start3A_122] : memref<81x128xi32, #tpu.memory_space<vmem>> -> memref<1x128xi32, #tpu.memory_space<vmem>>
        %dma_start3A_124 = tpu.memref_squeeze %dma_start3A_123 : memref<1x128xi32, #tpu.memory_space<vmem>> -> memref<128xi32, #tpu.memory_space<vmem>>
        %dma_start3A_125 = arith.constant 0 : i32
        %dma_start3A_126 = arith.constant 0 : i32
        %dma_start3A_127 = tpu.memref_slice %arg2[%dma_start3A_125, %dma_start3A_126] : memref<10000x128xf32, #tpu.memory_space<hbm>> -> memref<10000x128xf32, #tpu.memory_space<hbm>>
        tpu.enqueue_indirect_dma source(%dma_start3A_127 : memref<10000x128xf32, #tpu.memory_space<hbm>>) target(%arg10 : memref<128x128xf32, #tpu.memory_space<vmem>>) offsets(%dma_start3A_124 : memref<128xi32, #tpu.memory_space<vmem>>) semaphore(%arg14 : memref<!tpu.dma_semaphore, #tpu.memory_space<semaphore_mem>>)
        %dma_start3A_128 = arith.constant 0 : i32
        %dma_start3A_129 = tpu.memref_slice %arg7[%add3A_121, %dma_start3A_128] : memref<81x128xi32, #tpu.memory_space<vmem>> -> memref<1x128xi32, #tpu.memory_space<vmem>>
        %dma_start3A_130 = tpu.memref_squeeze %dma_start3A_129 : memref<1x128xi32, #tpu.memory_space<vmem>> -> memref<128xi32, #tpu.memory_space<vmem>>
        %dma_start3A_131 = arith.constant 0 : i32
        %dma_start3A_132 = arith.constant 0 : i32
        %dma_start3A_133 = tpu.memref_slice %arg2[%dma_start3A_131, %dma_start3A_132] : memref<10000x128xf32, #tpu.memory_space<hbm>> -> memref<10000x128xf32, #tpu.memory_space<hbm>>
        tpu.enqueue_indirect_dma source(%dma_start3A_133 : memref<10000x128xf32, #tpu.memory_space<hbm>>) target(%arg11 : memref<128x128xf32, #tpu.memory_space<vmem>>) offsets(%dma_start3A_130 : memref<128xi32, #tpu.memory_space<vmem>>) semaphore(%arg15 : memref<!tpu.dma_semaphore, #tpu.memory_space<semaphore_mem>>)
      } else {
      }
      %scan3A_119 = arith.constant 0 : i32
      scf.yield %scan3A_119 : i32
    }
    %scan3A_35 = arith.constant 40 : i32
    %dma_wait3A = arith.constant 0 : i32
    %dma_wait3A_36 = arith.constant 0 : i32
    %dma_wait3A_37 = tpu.memref_slice %arg2[%dma_wait3A, %dma_wait3A_36] : memref<10000x128xf32, #tpu.memory_space<hbm>> -> memref<128x128xf32, #tpu.memory_space<hbm>>
    %dma_wait3A_38 = arith.constant 0 : i32
    %dma_wait3A_39 = arith.constant 0 : i32
    %dma_wait3A_40 = tpu.memref_slice %arg2[%dma_wait3A_38, %dma_wait3A_39] : memref<10000x128xf32, #tpu.memory_space<hbm>> -> memref<128x128xf32, #tpu.memory_space<hbm>>
    tpu.wait_dma2 semaphore(%arg12 : memref<!tpu.dma_semaphore, #tpu.memory_space<semaphore_mem>>) src(%dma_wait3A_40 : memref<128x128xf32, #tpu.memory_space<hbm>>) dst(%arg8 : memref<128x128xf32, #tpu.memory_space<vmem>>)
    %dma_wait3A_41 = arith.constant 0 : i32
    %dma_wait3A_42 = arith.constant 0 : i32
    %dma_wait3A_43 = tpu.memref_slice %arg2[%dma_wait3A_41, %dma_wait3A_42] : memref<10000x128xf32, #tpu.memory_space<hbm>> -> memref<128x128xf32, #tpu.memory_space<hbm>>
    %dma_wait3A_44 = arith.constant 0 : i32
    %dma_wait3A_45 = arith.constant 0 : i32
    %dma_wait3A_46 = tpu.memref_slice %arg2[%dma_wait3A_44, %dma_wait3A_45] : memref<10000x128xf32, #tpu.memory_space<hbm>> -> memref<128x128xf32, #tpu.memory_space<hbm>>
    tpu.wait_dma2 semaphore(%arg13 : memref<!tpu.dma_semaphore, #tpu.memory_space<semaphore_mem>>) src(%dma_wait3A_46 : memref<128x128xf32, #tpu.memory_space<hbm>>) dst(%arg9 : memref<128x128xf32, #tpu.memory_space<vmem>>)
    %add3A_47 = arith.constant 80 : i32
    %add3A_48 = arith.addi %mul3A_2, %add3A_47 : i32
    %mul3A_49 = arith.constant 128 : i32
    %mul3A_50 = arith.muli %add3A_48, %mul3A_49 : i32
    %scan3A_51 = arith.constant 0 : i32
    %scan3A_52 = arith.constant 0 : i32
    %scan3A_53 = arith.constant 128 : i32
    %scan3A_54 = arith.addi %scan3A_52, %scan3A_53 : i32
    %scan3A_55 = arith.constant 1 : i32
    %scan3A_56 = scf.for %scan3A_58 = %scan3A_52 to %scan3A_54 step %scan3A_55 iter_args(%scan3A_59 = %scan3A_51) -> (i32)  : i32 {
      %get3A = arith.index_cast %scan3A_58 : i32 to index
      %get3A_60 = arith.constant 0 : index
      %get3A_61 = tpu.vector_load %arg8[%get3A, %get3A_60] {strides = array<i32>} : memref<128x128xf32, #tpu.memory_space<vmem>>, vector<1x16xf32>,
      %get3A_62 = vector.shape_cast %get3A_61 : vector<1x16xf32> to vector<16xf32>
      %swap3A = arith.index_cast %scan3A_58 : i32 to index
      %swap3A_63 = arith.constant 0 : index
      %swap3A_64 = tpu.vector_load %arg9[%swap3A, %swap3A_63] {strides = array<i32>} : memref<128x128xf32, #tpu.memory_space<vmem>>, vector<1x16xf32>,
      %swap3A_65 = vector.shape_cast %swap3A_64 : vector<1x16xf32> to vector<16xf32>
      %swap3A_66 = vector.shape_cast %get3A_62 : vector<16xf32> to vector<1x16xf32>
      tpu.vector_store %arg9[%swap3A, %swap3A_63], %swap3A_66 {strides = array<i32>} : memref<128x128xf32, #tpu.memory_space<vmem>>, vector<1x16xf32>,
      %get3A_67 = arith.index_cast %scan3A_58 : i32 to index
      %get3A_68 = arith.constant 16 : index
      %get3A_69 = tpu.vector_load %arg8[%get3A_67, %get3A_68] {strides = array<i32>} : memref<128x128xf32, #tpu.memory_space<vmem>>, vector<1x16xf32>,
      %get3A_70 = vector.shape_cast %get3A_69 : vector<1x16xf32> to vector<16xf32>
      %swap3A_71 = arith.index_cast %scan3A_58 : i32 to index
      %swap3A_72 = arith.constant 16 : index
      %swap3A_73 = tpu.vector_load %arg9[%swap3A_71, %swap3A_72] {strides = array<i32>} : memref<128x128xf32, #tpu.memory_space<vmem>>, vector<1x16xf32>,
      %swap3A_74 = vector.shape_cast %swap3A_73 : vector<1x16xf32> to vector<16xf32>
      %swap3A_75 = vector.shape_cast %get3A_70 : vector<16xf32> to vector<1x16xf32>
      tpu.vector_store %arg9[%swap3A_71, %swap3A_72], %swap3A_75 {strides = array<i32>} : memref<128x128xf32, #tpu.memory_space<vmem>>, vector<1x16xf32>,
      %get3A_76 = arith.index_cast %scan3A_58 : i32 to index
      %get3A_77 = arith.constant 32 : index
      %get3A_78 = tpu.vector_load %arg8[%get3A_76, %get3A_77] {strides = array<i32>} : memref<128x128xf32, #tpu.memory_space<vmem>>, vector<1x16xf32>,
      %get3A_79 = vector.shape_cast %get3A_78 : vector<1x16xf32> to vector<16xf32>
      %swap3A_80 = arith.index_cast %scan3A_58 : i32 to index
      %swap3A_81 = arith.constant 32 : index
      %swap3A_82 = tpu.vector_load %arg9[%swap3A_80, %swap3A_81] {strides = array<i32>} : memref<128x128xf32, #tpu.memory_space<vmem>>, vector<1x16xf32>,
      %swap3A_83 = vector.shape_cast %swap3A_82 : vector<1x16xf32> to vector<16xf32>
      %swap3A_84 = vector.shape_cast %get3A_79 : vector<16xf32> to vector<1x16xf32>
      tpu.vector_store %arg9[%swap3A_80, %swap3A_81], %swap3A_84 {strides = array<i32>} : memref<128x128xf32, #tpu.memory_space<vmem>>, vector<1x16xf32>,
      %get3A_85 = arith.index_cast %scan3A_58 : i32 to index
      %get3A_86 = arith.constant 48 : index
      %get3A_87 = tpu.vector_load %arg8[%get3A_85, %get3A_86] {strides = array<i32>} : memref<128x128xf32, #tpu.memory_space<vmem>>, vector<1x16xf32>,
      %get3A_88 = vector.shape_cast %get3A_87 : vector<1x16xf32> to vector<16xf32>
      %swap3A_89 = arith.index_cast %scan3A_58 : i32 to index
      %swap3A_90 = arith.constant 48 : index
      %swap3A_91 = tpu.vector_load %arg9[%swap3A_89, %swap3A_90] {strides = array<i32>} : memref<128x128xf32, #tpu.memory_space<vmem>>, vector<1x16xf32>,
      %swap3A_92 = vector.shape_cast %swap3A_91 : vector<1x16xf32> to vector<16xf32>
      %swap3A_93 = vector.shape_cast %get3A_88 : vector<16xf32> to vector<1x16xf32>
      tpu.vector_store %arg9[%swap3A_89, %swap3A_90], %swap3A_93 {strides = array<i32>} : memref<128x128xf32, #tpu.memory_space<vmem>>, vector<1x16xf32>,
      %scan3A_94 = arith.constant 0 : i32
      scf.yield %scan3A_94 : i32
    }
    %scan3A_57 = arith.constant 128 : i32
    "tpu.region"() ({
      %run_scoped3A = tpu.sem_alloc : memref<!tpu.dma_semaphore, #tpu.memory_space<semaphore_mem>>
      %dma_start3A_58 = arith.constant 0 : i32
      %dma_start3A_59 = tpu.memref_slice %arg5[%mul3A_50, %dma_start3A_58] : memref<331776x128xf32, #tpu.memory_space<hbm>> -> memref<128x128xf32, #tpu.memory_space<hbm>>
      %dma_start3A_60 = arith.constant 0 : i32
      %dma_start3A_61 = tpu.memref_slice %arg5[%mul3A_50, %dma_start3A_60] : memref<331776x128xf32, #tpu.memory_space<hbm>> -> memref<128x128xf32, #tpu.memory_space<hbm>>
      tpu.enqueue_dma source(%arg9 : memref<128x128xf32, #tpu.memory_space<vmem>>) target(%dma_start3A_61 : memref<128x128xf32, #tpu.memory_space<hbm>>) target_semaphore(%run_scoped3A : memref<!tpu.dma_semaphore, #tpu.memory_space<semaphore_mem>>)
      %dma_wait3A_62 = arith.constant 0 : i32
      %dma_wait3A_63 = tpu.memref_slice %arg5[%mul3A_50, %dma_wait3A_62] : memref<331776x128xf32, #tpu.memory_space<hbm>> -> memref<128x128xf32, #tpu.memory_space<hbm>>
      %dma_wait3A_64 = arith.constant 0 : i32
      %dma_wait3A_65 = tpu.memref_slice %arg5[%mul3A_50, %dma_wait3A_64] : memref<331776x128xf32, #tpu.memory_space<hbm>> -> memref<128x128xf32, #tpu.memory_space<hbm>>
      tpu.wait_dma2 semaphore(%run_scoped3A : memref<!tpu.dma_semaphore, #tpu.memory_space<semaphore_mem>>) src(%arg9 : memref<128x128xf32, #tpu.memory_space<vmem>>) dst(%dma_wait3A_65 : memref<128x128xf32, #tpu.memory_space<hbm>>)
      tpu.yield
    }) : () -> ()
    return
  }
}

#map = affine_map<(d0, d1) -> (0, 0)>
#map1 = affine_map<(d0, d1) -> (0, 0, 0)>
module attributes {stable_mosaic.version = 14 : i64} {
  func.func @scatter_k(%arg0: i32, %arg1: i32, %arg2: memref<331776x128xf32, #tpu.memory_space<hbm>>, %arg3: memref<331776x128xf32, #tpu.memory_space<hbm>>, %arg4: memref<16x162x128xi32, #tpu.memory_space<hbm>>, %arg5: memref<10240x128xf32, #tpu.memory_space<hbm>>, %arg6: memref<10240x128xf32, #tpu.memory_space<hbm>>, %arg7: memref<1x128xi32, #tpu.memory_space<vmem>>, %arg8: memref<1x128xi32, #tpu.memory_space<vmem>>, %arg9: memref<128x128xf32, #tpu.memory_space<vmem>>, %arg10: memref<128x128xf32, #tpu.memory_space<vmem>>, %arg11: memref<10240x128xf32, #tpu.memory_space<vmem_shared>>, %arg12: memref<!tpu.dma_semaphore, #tpu.memory_space<semaphore_mem>>, %arg13: memref<!tpu.dma_semaphore, #tpu.memory_space<semaphore_mem>>, %arg14: memref<!tpu.dma_semaphore, #tpu.memory_space<semaphore_mem>>, %arg15: memref<!tpu.dma_semaphore, #tpu.memory_space<semaphore_mem>>) attributes {dimension_semantics = [#tpu.dimension_semantics<core_parallel>, #tpu.dimension_semantics<subcore_parallel>], iteration_bounds = array<i64: 2, 16>, scalar_prefetch = 0 : i64, scratch_operands = 9 : i64, tpu.core_type = #tpu.core_type<sc_vector_subcore>, window_params = [{transform_indices = #map}, {transform_indices = #map}, {transform_indices = #map1}, {transform_indices = #map}, {transform_indices = #map}]} {
    %mul3A = arith.constant 162 : i32
    %mul3A_0 = arith.muli %arg1, %mul3A : i32
    %scan3A = arith.constant 0 : i32
    %scan3A_1 = arith.constant 0 : i32
    %scan3A_2 = arith.constant 128 : i32
    %scan3A_3 = arith.addi %scan3A_1, %scan3A_2 : i32
    %scan3A_4 = arith.constant 1 : i32
    %scan3A_5 = scf.for %scan3A_32 = %scan3A_1 to %scan3A_3 step %scan3A_4 iter_args(%scan3A_33 = %scan3A) -> (i32)  : i32 {
      %scan3A_34 = arith.constant 0 : i32
      %scan3A_35 = arith.constant 0 : i32
      %scan3A_36 = arith.constant 8 : i32
      %scan3A_37 = arith.addi %scan3A_35, %scan3A_36 : i32
      %scan3A_38 = arith.constant 1 : i32
      %scan3A_39 = scf.for %scan3A_42 = %scan3A_35 to %scan3A_37 step %scan3A_38 iter_args(%scan3A_43 = %scan3A_34) -> (i32)  : i32 {
        %broadcast_in_dim3A = arith.constant 0.000000e+00 : f32
        %broadcast_in_dim3A_44 = vector.broadcast %broadcast_in_dim3A : f32 to vector<16xf32>
        %mul3A_45 = arith.constant 16 : i32
        %mul3A_46 = arith.muli %scan3A_42, %mul3A_45 : i32
        %swap3A = arith.index_cast %scan3A_32 : i32 to index
        %swap3A_47 = arith.index_cast %mul3A_46 : i32 to index
        %swap3A_48 = tpu.vector_load %arg9[%swap3A, %swap3A_47] {strides = array<i32>} : memref<128x128xf32, #tpu.memory_space<vmem>>, vector<1x16xf32>,
        %swap3A_49 = vector.shape_cast %swap3A_48 : vector<1x16xf32> to vector<16xf32>
        %swap3A_50 = vector.shape_cast %broadcast_in_dim3A_44 : vector<16xf32> to vector<1x16xf32>
        tpu.vector_store %arg9[%swap3A, %swap3A_47], %swap3A_50 {strides = array<i32>} : memref<128x128xf32, #tpu.memory_space<vmem>>, vector<1x16xf32>,
        %scan3A_51 = arith.constant 0 : i32
        scf.yield %scan3A_51 : i32
      }
      %scan3A_40 = arith.constant 8 : i32
      %scan3A_41 = arith.constant 0 : i32
      scf.yield %scan3A_41 : i32
    }
    %scan3A_6 = arith.constant 128 : i32
    %scan3A_7 = arith.constant 0 : i32
    %scan3A_8 = arith.constant 0 : i32
    %scan3A_9 = arith.constant 5 : i32
    %scan3A_10 = arith.addi %scan3A_8, %scan3A_9 : i32
    %scan3A_11 = arith.constant 1 : i32
    %scan3A_12 = scf.for %scan3A_32 = %scan3A_8 to %scan3A_10 step %scan3A_11 iter_args(%scan3A_33 = %scan3A_7) -> (i32)  : i32 {
      %mul3A_34 = arith.constant 640 : i32
      %mul3A_35 = arith.muli %arg1, %mul3A_34 : i32
      %mul3A_36 = arith.constant 128 : i32
      %mul3A_37 = arith.muli %scan3A_32, %mul3A_36 : i32
      %add3A = arith.addi %mul3A_35, %mul3A_37 : i32
      "tpu.region"() ({
        %run_scoped3A = tpu.sem_alloc : memref<!tpu.dma_semaphore, #tpu.memory_space<semaphore_mem>>
        %dma_start3A = arith.constant 0 : i32
        %dma_start3A_39 = tpu.memref_slice %arg11[%add3A, %dma_start3A] : memref<10240x128xf32, #tpu.memory_space<vmem_shared>> -> memref<128x128xf32, #tpu.memory_space<vmem_shared>>
        %dma_start3A_40 = arith.constant 0 : i32
        %dma_start3A_41 = tpu.memref_slice %arg11[%add3A, %dma_start3A_40] : memref<10240x128xf32, #tpu.memory_space<vmem_shared>> -> memref<128x128xf32, #tpu.memory_space<vmem_shared>>
        tpu.enqueue_dma source(%arg9 : memref<128x128xf32, #tpu.memory_space<vmem>>) target(%dma_start3A_41 : memref<128x128xf32, #tpu.memory_space<vmem_shared>>) target_semaphore(%run_scoped3A : memref<!tpu.dma_semaphore, #tpu.memory_space<semaphore_mem>>)
        %dma_wait3A = arith.constant 0 : i32
        %dma_wait3A_42 = tpu.memref_slice %arg11[%add3A, %dma_wait3A] : memref<10240x128xf32, #tpu.memory_space<vmem_shared>> -> memref<128x128xf32, #tpu.memory_space<vmem_shared>>
        %dma_wait3A_43 = arith.constant 0 : i32
        %dma_wait3A_44 = tpu.memref_slice %arg11[%add3A, %dma_wait3A_43] : memref<10240x128xf32, #tpu.memory_space<vmem_shared>> -> memref<128x128xf32, #tpu.memory_space<vmem_shared>>
        tpu.wait_dma2 semaphore(%run_scoped3A : memref<!tpu.dma_semaphore, #tpu.memory_space<semaphore_mem>>) src(%arg9 : memref<128x128xf32, #tpu.memory_space<vmem>>) dst(%dma_wait3A_44 : memref<128x128xf32, #tpu.memory_space<vmem_shared>>)
        tpu.yield
      }) : () -> ()
      %scan3A_38 = arith.constant 0 : i32
      scf.yield %scan3A_38 : i32
    }
    %scan3A_13 = arith.constant 5 : i32
    %barrier3A = arith.constant 0 : index
    tpu.barrier barrier_id(%barrier3A)
    %eq3A = arith.constant 0 : i32
    %eq3A_14 = arith.cmpi eq, %arg0, %eq3A : i32
    %convert_element_type3A = arith.extui %eq3A_14 : i1 to i32
    %cond3A = arith.constant 0 : i32
    %cond3A_15 = arith.cmpi ne, %convert_element_type3A, %cond3A : i32
    scf.if %cond3A_15 {
      %dma_start3A = arith.constant 0 : i32
      %dma_start3A_32 = arith.constant 0 : i32
      %dma_start3A_33 = tpu.memref_slice %arg4[%arg1, %dma_start3A, %dma_start3A_32] : memref<16x162x128xi32, #tpu.memory_space<hbm>> -> memref<1x1x128xi32, #tpu.memory_space<hbm>>
      %dma_start3A_34 = tpu.memref_squeeze %dma_start3A_33 : memref<1x1x128xi32, #tpu.memory_space<hbm>> -> memref<1x128xi32, #tpu.memory_space<hbm>>
      %dma_start3A_35 = arith.constant 0 : i32
      %dma_start3A_36 = arith.constant 0 : i32
      %dma_start3A_37 = tpu.memref_slice %arg4[%arg1, %dma_start3A_35, %dma_start3A_36] : memref<16x162x128xi32, #tpu.memory_space<hbm>> -> memref<1x1x128xi32, #tpu.memory_space<hbm>>
      %dma_start3A_38 = tpu.memref_squeeze %dma_start3A_37 : memref<1x1x128xi32, #tpu.memory_space<hbm>> -> memref<1x128xi32, #tpu.memory_space<hbm>>
      tpu.enqueue_dma source(%dma_start3A_38 : memref<1x128xi32, #tpu.memory_space<hbm>>) target(%arg7 : memref<1x128xi32, #tpu.memory_space<vmem>>) target_semaphore(%arg14 : memref<!tpu.dma_semaphore, #tpu.memory_space<semaphore_mem>>)
      %add3A = arith.constant 0 : i32
      %add3A_39 = arith.addi %mul3A_0, %add3A : i32
      %mul3A_40 = arith.constant 128 : i32
      %mul3A_41 = arith.muli %add3A_39, %mul3A_40 : i32
      %dma_start3A_42 = arith.constant 0 : i32
      %dma_start3A_43 = tpu.memref_slice %arg2[%mul3A_41, %dma_start3A_42] : memref<331776x128xf32, #tpu.memory_space<hbm>> -> memref<128x128xf32, #tpu.memory_space<hbm>>
      %dma_start3A_44 = arith.constant 0 : i32
      %dma_start3A_45 = tpu.memref_slice %arg2[%mul3A_41, %dma_start3A_44] : memref<331776x128xf32, #tpu.memory_space<hbm>> -> memref<128x128xf32, #tpu.memory_space<hbm>>
      tpu.enqueue_dma source(%dma_start3A_45 : memref<128x128xf32, #tpu.memory_space<hbm>>) target(%arg9 : memref<128x128xf32, #tpu.memory_space<vmem>>) target_semaphore(%arg12 : memref<!tpu.dma_semaphore, #tpu.memory_space<semaphore_mem>>)
      %dma_start3A_46 = arith.constant 1 : i32
      %dma_start3A_47 = arith.constant 0 : i32
      %dma_start3A_48 = tpu.memref_slice %arg4[%arg1, %dma_start3A_46, %dma_start3A_47] : memref<16x162x128xi32, #tpu.memory_space<hbm>> -> memref<1x1x128xi32, #tpu.memory_space<hbm>>
      %dma_start3A_49 = tpu.memref_squeeze %dma_start3A_48 : memref<1x1x128xi32, #tpu.memory_space<hbm>> -> memref<1x128xi32, #tpu.memory_space<hbm>>
      %dma_start3A_50 = arith.constant 1 : i32
      %dma_start3A_51 = arith.constant 0 : i32
      %dma_start3A_52 = tpu.memref_slice %arg4[%arg1, %dma_start3A_50, %dma_start3A_51] : memref<16x162x128xi32, #tpu.memory_space<hbm>> -> memref<1x1x128xi32, #tpu.memory_space<hbm>>
      %dma_start3A_53 = tpu.memref_squeeze %dma_start3A_52 : memref<1x1x128xi32, #tpu.memory_space<hbm>> -> memref<1x128xi32, #tpu.memory_space<hbm>>
      tpu.enqueue_dma source(%dma_start3A_53 : memref<1x128xi32, #tpu.memory_space<hbm>>) target(%arg8 : memref<1x128xi32, #tpu.memory_space<vmem>>) target_semaphore(%arg15 : memref<!tpu.dma_semaphore, #tpu.memory_space<semaphore_mem>>)
      %add3A_54 = arith.constant 1 : i32
      %add3A_55 = arith.addi %mul3A_0, %add3A_54 : i32
      %mul3A_56 = arith.constant 128 : i32
      %mul3A_57 = arith.muli %add3A_55, %mul3A_56 : i32
      %dma_start3A_58 = arith.constant 0 : i32
      %dma_start3A_59 = tpu.memref_slice %arg2[%mul3A_57, %dma_start3A_58] : memref<331776x128xf32, #tpu.memory_space<hbm>> -> memref<128x128xf32, #tpu.memory_space<hbm>>
      %dma_start3A_60 = arith.constant 0 : i32
      %dma_start3A_61 = tpu.memref_slice %arg2[%mul3A_57, %dma_start3A_60] : memref<331776x128xf32, #tpu.memory_space<hbm>> -> memref<128x128xf32, #tpu.memory_space<hbm>>
      tpu.enqueue_dma source(%dma_start3A_61 : memref<128x128xf32, #tpu.memory_space<hbm>>) target(%arg10 : memref<128x128xf32, #tpu.memory_space<vmem>>) target_semaphore(%arg13 : memref<!tpu.dma_semaphore, #tpu.memory_space<semaphore_mem>>)
      %scan3A_62 = arith.constant 0 : i32
      %scan3A_63 = arith.constant 0 : i32
      %scan3A_64 = arith.constant 81 : i32
      %scan3A_65 = arith.addi %scan3A_63, %scan3A_64 : i32
      %scan3A_66 = arith.constant 1 : i32
      %scan3A_67 = scf.for %scan3A_69 = %scan3A_63 to %scan3A_65 step %scan3A_66 iter_args(%scan3A_70 = %scan3A_62) -> (i32)  : i32 {
        %mul3A_71 = arith.constant 2 : i32
        %mul3A_72 = arith.muli %scan3A_69, %mul3A_71 : i32
        %dma_wait3A = arith.constant 0 : i32
        %dma_wait3A_73 = arith.constant 0 : i32
        %dma_wait3A_74 = tpu.memref_slice %arg4[%arg1, %dma_wait3A, %dma_wait3A_73] : memref<16x162x128xi32, #tpu.memory_space<hbm>> -> memref<1x1x128xi32, #tpu.memory_space<hbm>>
        %dma_wait3A_75 = tpu.memref_squeeze %dma_wait3A_74 : memref<1x1x128xi32, #tpu.memory_space<hbm>> -> memref<1x128xi32, #tpu.memory_space<hbm>>
        %dma_wait3A_76 = arith.constant 0 : i32
        %dma_wait3A_77 = arith.constant 0 : i32
        %dma_wait3A_78 = tpu.memref_slice %arg4[%arg1, %dma_wait3A_76, %dma_wait3A_77] : memref<16x162x128xi32, #tpu.memory_space<hbm>> -> memref<1x1x128xi32, #tpu.memory_space<hbm>>
        %dma_wait3A_79 = tpu.memref_squeeze %dma_wait3A_78 : memref<1x1x128xi32, #tpu.memory_space<hbm>> -> memref<1x128xi32, #tpu.memory_space<hbm>>
        tpu.wait_dma2 semaphore(%arg14 : memref<!tpu.dma_semaphore, #tpu.memory_space<semaphore_mem>>) src(%dma_wait3A_79 : memref<1x128xi32, #tpu.memory_space<hbm>>) dst(%arg7 : memref<1x128xi32, #tpu.memory_space<vmem>>)
        %dma_wait3A_80 = arith.constant 0 : i32
        %dma_wait3A_81 = arith.constant 0 : i32
        %dma_wait3A_82 = tpu.memref_slice %arg2[%dma_wait3A_80, %dma_wait3A_81] : memref<331776x128xf32, #tpu.memory_space<hbm>> -> memref<128x128xf32, #tpu.memory_space<hbm>>
        %dma_wait3A_83 = arith.constant 0 : i32
        %dma_wait3A_84 = arith.constant 0 : i32
        %dma_wait3A_85 = tpu.memref_slice %arg2[%dma_wait3A_83, %dma_wait3A_84] : memref<331776x128xf32, #tpu.memory_space<hbm>> -> memref<128x128xf32, #tpu.memory_space<hbm>>
        tpu.wait_dma2 semaphore(%arg12 : memref<!tpu.dma_semaphore, #tpu.memory_space<semaphore_mem>>) src(%dma_wait3A_85 : memref<128x128xf32, #tpu.memory_space<hbm>>) dst(%arg9 : memref<128x128xf32, #tpu.memory_space<vmem>>)
        %run_scoped3A = arith.constant 0 : i32
        "tpu.region"() ({
          %run_scoped3A_117 = tpu.sem_alloc : memref<!tpu.dma_semaphore, #tpu.memory_space<semaphore_mem>>
          %dma_start3A_118 = arith.constant 0 : i32
          %dma_start3A_119 = tpu.memref_slice %arg7[%run_scoped3A, %dma_start3A_118] : memref<1x128xi32, #tpu.memory_space<vmem>> -> memref<1x128xi32, #tpu.memory_space<vmem>>
          %dma_start3A_120 = tpu.memref_squeeze %dma_start3A_119 : memref<1x128xi32, #tpu.memory_space<vmem>> -> memref<128xi32, #tpu.memory_space<vmem>>
          %dma_start3A_121 = arith.constant 0 : i32
          %dma_start3A_122 = arith.constant 0 : i32
          %dma_start3A_123 = tpu.memref_slice %arg11[%dma_start3A_121, %dma_start3A_122] : memref<10240x128xf32, #tpu.memory_space<vmem_shared>> -> memref<10240x128xf32, #tpu.memory_space<vmem_shared>>
          tpu.enqueue_indirect_dma source(%arg9 : memref<128x128xf32, #tpu.memory_space<vmem>>) target(%dma_start3A_123 : memref<10240x128xf32, #tpu.memory_space<vmem_shared>>) offsets(%dma_start3A_120 : memref<128xi32, #tpu.memory_space<vmem>>) semaphore(%run_scoped3A_117 : memref<!tpu.dma_semaphore, #tpu.memory_space<semaphore_mem>>) {add = true}
          %dma_wait3A_124 = arith.constant 0 : i32
          %dma_wait3A_125 = tpu.memref_slice %arg7[%run_scoped3A, %dma_wait3A_124] : memref<1x128xi32, #tpu.memory_space<vmem>> -> memref<1x128xi32, #tpu.memory_space<vmem>>
          %dma_wait3A_126 = tpu.memref_squeeze %dma_wait3A_125 : memref<1x128xi32, #tpu.memory_space<vmem>> -> memref<128xi32, #tpu.memory_space<vmem>>
          %dma_wait3A_127 = arith.constant 0 : i32
          %dma_wait3A_128 = arith.constant 0 : i32
          %dma_wait3A_129 = tpu.memref_slice %arg11[%dma_wait3A_127, %dma_wait3A_128] : memref<10240x128xf32, #tpu.memory_space<vmem_shared>> -> memref<10240x128xf32, #tpu.memory_space<vmem_shared>>
          tpu.wait_indirect_dma semaphore(%run_scoped3A_117 : memref<!tpu.dma_semaphore, #tpu.memory_space<semaphore_mem>>) src(%arg9 : memref<128x128xf32, #tpu.memory_space<vmem>>) dst(%dma_wait3A_129 : memref<10240x128xf32, #tpu.memory_space<vmem_shared>>)
          tpu.yield
        }) : () -> ()
        %add3A_86 = arith.constant 2 : i32
        %add3A_87 = arith.addi %mul3A_72, %add3A_86 : i32
        %lt3A = arith.constant 162 : i32
        %lt3A_88 = arith.cmpi slt, %add3A_87, %lt3A : i32
        %convert_element_type3A_89 = arith.extui %lt3A_88 : i1 to i32
        %cond3A_90 = arith.constant 0 : i32
        %cond3A_91 = arith.cmpi ne, %convert_element_type3A_89, %cond3A_90 : i32
        scf.if %cond3A_91 {
          %add3A_117 = arith.constant 2 : i32
          %add3A_118 = arith.addi %mul3A_72, %add3A_117 : i32
          %dma_start3A_119 = arith.constant 0 : i32
          %dma_start3A_120 = tpu.memref_slice %arg4[%arg1, %add3A_118, %dma_start3A_119] : memref<16x162x128xi32, #tpu.memory_space<hbm>> -> memref<1x1x128xi32, #tpu.memory_space<hbm>>
          %dma_start3A_121 = tpu.memref_squeeze %dma_start3A_120 : memref<1x1x128xi32, #tpu.memory_space<hbm>> -> memref<1x128xi32, #tpu.memory_space<hbm>>
          %dma_start3A_122 = arith.constant 0 : i32
          %dma_start3A_123 = tpu.memref_slice %arg4[%arg1, %add3A_118, %dma_start3A_122] : memref<16x162x128xi32, #tpu.memory_space<hbm>> -> memref<1x1x128xi32, #tpu.memory_space<hbm>>
          %dma_start3A_124 = tpu.memref_squeeze %dma_start3A_123 : memref<1x1x128xi32, #tpu.memory_space<hbm>> -> memref<1x128xi32, #tpu.memory_space<hbm>>
          tpu.enqueue_dma source(%dma_start3A_124 : memref<1x128xi32, #tpu.memory_space<hbm>>) target(%arg7 : memref<1x128xi32, #tpu.memory_space<vmem>>) target_semaphore(%arg14 : memref<!tpu.dma_semaphore, #tpu.memory_space<semaphore_mem>>)
          %add3A_125 = arith.addi %mul3A_0, %add3A_118 : i32
          %mul3A_126 = arith.constant 128 : i32
          %mul3A_127 = arith.muli %add3A_125, %mul3A_126 : i32
          %dma_start3A_128 = arith.constant 0 : i32
          %dma_start3A_129 = tpu.memref_slice %arg2[%mul3A_127, %dma_start3A_128] : memref<331776x128xf32, #tpu.memory_space<hbm>> -> memref<128x128xf32, #tpu.memory_space<hbm>>
          %dma_start3A_130 = arith.constant 0 : i32
          %dma_start3A_131 = tpu.memref_slice %arg2[%mul3A_127, %dma_start3A_130] : memref<331776x128xf32, #tpu.memory_space<hbm>> -> memref<128x128xf32, #tpu.memory_space<hbm>>
          tpu.enqueue_dma source(%dma_start3A_131 : memref<128x128xf32, #tpu.memory_space<hbm>>) target(%arg9 : memref<128x128xf32, #tpu.memory_space<vmem>>) target_semaphore(%arg12 : memref<!tpu.dma_semaphore, #tpu.memory_space<semaphore_mem>>)
        } else {
        }
        %add3A_92 = arith.constant 1 : i32
        %add3A_93 = arith.addi %mul3A_72, %add3A_92 : i32
        %dma_wait3A_94 = arith.constant 0 : i32
        %dma_wait3A_95 = arith.constant 0 : i32
        %dma_wait3A_96 = tpu.memref_slice %arg4[%arg1, %dma_wait3A_94, %dma_wait3A_95] : memref<16x162x128xi32, #tpu.memory_space<hbm>> -> memref<1x1x128xi32, #tpu.memory_space<hbm>>
        %dma_wait3A_97 = tpu.memref_squeeze %dma_wait3A_96 : memref<1x1x128xi32, #tpu.memory_space<hbm>> -> memref<1x128xi32, #tpu.memory_space<hbm>>
        %dma_wait3A_98 = arith.constant 0 : i32
        %dma_wait3A_99 = arith.constant 0 : i32
        %dma_wait3A_100 = tpu.memref_slice %arg4[%arg1, %dma_wait3A_98, %dma_wait3A_99] : memref<16x162x128xi32, #tpu.memory_space<hbm>> -> memref<1x1x128xi32, #tpu.memory_space<hbm>>
        %dma_wait3A_101 = tpu.memref_squeeze %dma_wait3A_100 : memref<1x1x128xi32, #tpu.memory_space<hbm>> -> memref<1x128xi32, #tpu.memory_space<hbm>>
        tpu.wait_dma2 semaphore(%arg15 : memref<!tpu.dma_semaphore, #tpu.memory_space<semaphore_mem>>) src(%dma_wait3A_101 : memref<1x128xi32, #tpu.memory_space<hbm>>) dst(%arg8 : memref<1x128xi32, #tpu.memory_space<vmem>>)
        %dma_wait3A_102 = arith.constant 0 : i32
        %dma_wait3A_103 = arith.constant 0 : i32
        %dma_wait3A_104 = tpu.memref_slice %arg2[%dma_wait3A_102, %dma_wait3A_103] : memref<331776x128xf32, #tpu.memory_space<hbm>> -> memref<128x128xf32, #tpu.memory_space<hbm>>
        %dma_wait3A_105 = arith.constant 0 : i32
        %dma_wait3A_106 = arith.constant 0 : i32
        %dma_wait3A_107 = tpu.memref_slice %arg2[%dma_wait3A_105, %dma_wait3A_106] : memref<331776x128xf32, #tpu.memory_space<hbm>> -> memref<128x128xf32, #tpu.memory_space<hbm>>
        tpu.wait_dma2 semaphore(%arg13 : memref<!tpu.dma_semaphore, #tpu.memory_space<semaphore_mem>>) src(%dma_wait3A_107 : memref<128x128xf32, #tpu.memory_space<hbm>>) dst(%arg10 : memref<128x128xf32, #tpu.memory_space<vmem>>)
        %run_scoped3A_108 = arith.constant 0 : i32
        "tpu.region"() ({
          %run_scoped3A_117 = tpu.sem_alloc : memref<!tpu.dma_semaphore, #tpu.memory_space<semaphore_mem>>
          %dma_start3A_118 = arith.constant 0 : i32
          %dma_start3A_119 = tpu.memref_slice %arg8[%run_scoped3A_108, %dma_start3A_118] : memref<1x128xi32, #tpu.memory_space<vmem>> -> memref<1x128xi32, #tpu.memory_space<vmem>>
          %dma_start3A_120 = tpu.memref_squeeze %dma_start3A_119 : memref<1x128xi32, #tpu.memory_space<vmem>> -> memref<128xi32, #tpu.memory_space<vmem>>
          %dma_start3A_121 = arith.constant 0 : i32
          %dma_start3A_122 = arith.constant 0 : i32
          %dma_start3A_123 = tpu.memref_slice %arg11[%dma_start3A_121, %dma_start3A_122] : memref<10240x128xf32, #tpu.memory_space<vmem_shared>> -> memref<10240x128xf32, #tpu.memory_space<vmem_shared>>
          tpu.enqueue_indirect_dma source(%arg10 : memref<128x128xf32, #tpu.memory_space<vmem>>) target(%dma_start3A_123 : memref<10240x128xf32, #tpu.memory_space<vmem_shared>>) offsets(%dma_start3A_120 : memref<128xi32, #tpu.memory_space<vmem>>) semaphore(%run_scoped3A_117 : memref<!tpu.dma_semaphore, #tpu.memory_space<semaphore_mem>>) {add = true}
          %dma_wait3A_124 = arith.constant 0 : i32
          %dma_wait3A_125 = tpu.memref_slice %arg8[%run_scoped3A_108, %dma_wait3A_124] : memref<1x128xi32, #tpu.memory_space<vmem>> -> memref<1x128xi32, #tpu.memory_space<vmem>>
          %dma_wait3A_126 = tpu.memref_squeeze %dma_wait3A_125 : memref<1x128xi32, #tpu.memory_space<vmem>> -> memref<128xi32, #tpu.memory_space<vmem>>
          %dma_wait3A_127 = arith.constant 0 : i32
          %dma_wait3A_128 = arith.constant 0 : i32
          %dma_wait3A_129 = tpu.memref_slice %arg11[%dma_wait3A_127, %dma_wait3A_128] : memref<10240x128xf32, #tpu.memory_space<vmem_shared>> -> memref<10240x128xf32, #tpu.memory_space<vmem_shared>>
          tpu.wait_indirect_dma semaphore(%run_scoped3A_117 : memref<!tpu.dma_semaphore, #tpu.memory_space<semaphore_mem>>) src(%arg10 : memref<128x128xf32, #tpu.memory_space<vmem>>) dst(%dma_wait3A_129 : memref<10240x128xf32, #tpu.memory_space<vmem_shared>>)
          tpu.yield
        }) : () -> ()
        %add3A_109 = arith.constant 3 : i32
        %add3A_110 = arith.addi %mul3A_72, %add3A_109 : i32
        %lt3A_111 = arith.constant 162 : i32
        %lt3A_112 = arith.cmpi slt, %add3A_110, %lt3A_111 : i32
        %convert_element_type3A_113 = arith.extui %lt3A_112 : i1 to i32
        %cond3A_114 = arith.constant 0 : i32
        %cond3A_115 = arith.cmpi ne, %convert_element_type3A_113, %cond3A_114 : i32
        scf.if %cond3A_115 {
          %add3A_117 = arith.constant 3 : i32
          %add3A_118 = arith.addi %mul3A_72, %add3A_117 : i32
          %dma_start3A_119 = arith.constant 0 : i32
          %dma_start3A_120 = tpu.memref_slice %arg4[%arg1, %add3A_118, %dma_start3A_119] : memref<16x162x128xi32, #tpu.memory_space<hbm>> -> memref<1x1x128xi32, #tpu.memory_space<hbm>>
          %dma_start3A_121 = tpu.memref_squeeze %dma_start3A_120 : memref<1x1x128xi32, #tpu.memory_space<hbm>> -> memref<1x128xi32, #tpu.memory_space<hbm>>
          %dma_start3A_122 = arith.constant 0 : i32
          %dma_start3A_123 = tpu.memref_slice %arg4[%arg1, %add3A_118, %dma_start3A_122] : memref<16x162x128xi32, #tpu.memory_space<hbm>> -> memref<1x1x128xi32, #tpu.memory_space<hbm>>
          %dma_start3A_124 = tpu.memref_squeeze %dma_start3A_123 : memref<1x1x128xi32, #tpu.memory_space<hbm>> -> memref<1x128xi32, #tpu.memory_space<hbm>>
          tpu.enqueue_dma source(%dma_start3A_124 : memref<1x128xi32, #tpu.memory_space<hbm>>) target(%arg8 : memref<1x128xi32, #tpu.memory_space<vmem>>) target_semaphore(%arg15 : memref<!tpu.dma_semaphore, #tpu.memory_space<semaphore_mem>>)
          %add3A_125 = arith.addi %mul3A_0, %add3A_118 : i32
          %mul3A_126 = arith.constant 128 : i32
          %mul3A_127 = arith.muli %add3A_125, %mul3A_126 : i32
          %dma_start3A_128 = arith.constant 0 : i32
          %dma_start3A_129 = tpu.memref_slice %arg2[%mul3A_127, %dma_start3A_128] : memref<331776x128xf32, #tpu.memory_space<hbm>> -> memref<128x128xf32, #tpu.memory_space<hbm>>
          %dma_start3A_130 = arith.constant 0 : i32
          %dma_start3A_131 = tpu.memref_slice %arg2[%mul3A_127, %dma_start3A_130] : memref<331776x128xf32, #tpu.memory_space<hbm>> -> memref<128x128xf32, #tpu.memory_space<hbm>>
          tpu.enqueue_dma source(%dma_start3A_131 : memref<128x128xf32, #tpu.memory_space<hbm>>) target(%arg10 : memref<128x128xf32, #tpu.memory_space<vmem>>) target_semaphore(%arg13 : memref<!tpu.dma_semaphore, #tpu.memory_space<semaphore_mem>>)
        } else {
        }
        %scan3A_116 = arith.constant 0 : i32
        scf.yield %scan3A_116 : i32
      }
      %scan3A_68 = arith.constant 81 : i32
    } else {
    }
    %eq3A_16 = arith.constant 1 : i32
    %eq3A_17 = arith.cmpi eq, %arg0, %eq3A_16 : i32
    %convert_element_type3A_18 = arith.extui %eq3A_17 : i1 to i32
    %cond3A_19 = arith.constant 0 : i32
    %cond3A_20 = arith.cmpi ne, %convert_element_type3A_18, %cond3A_19 : i32
    scf.if %cond3A_20 {
      %dma_start3A = arith.constant 0 : i32
      %dma_start3A_32 = arith.constant 0 : i32
      %dma_start3A_33 = tpu.memref_slice %arg4[%arg1, %dma_start3A, %dma_start3A_32] : memref<16x162x128xi32, #tpu.memory_space<hbm>> -> memref<1x1x128xi32, #tpu.memory_space<hbm>>
      %dma_start3A_34 = tpu.memref_squeeze %dma_start3A_33 : memref<1x1x128xi32, #tpu.memory_space<hbm>> -> memref<1x128xi32, #tpu.memory_space<hbm>>
      %dma_start3A_35 = arith.constant 0 : i32
      %dma_start3A_36 = arith.constant 0 : i32
      %dma_start3A_37 = tpu.memref_slice %arg4[%arg1, %dma_start3A_35, %dma_start3A_36] : memref<16x162x128xi32, #tpu.memory_space<hbm>> -> memref<1x1x128xi32, #tpu.memory_space<hbm>>
      %dma_start3A_38 = tpu.memref_squeeze %dma_start3A_37 : memref<1x1x128xi32, #tpu.memory_space<hbm>> -> memref<1x128xi32, #tpu.memory_space<hbm>>
      tpu.enqueue_dma source(%dma_start3A_38 : memref<1x128xi32, #tpu.memory_space<hbm>>) target(%arg7 : memref<1x128xi32, #tpu.memory_space<vmem>>) target_semaphore(%arg14 : memref<!tpu.dma_semaphore, #tpu.memory_space<semaphore_mem>>)
      %add3A = arith.constant 0 : i32
      %add3A_39 = arith.addi %mul3A_0, %add3A : i32
      %mul3A_40 = arith.constant 128 : i32
      %mul3A_41 = arith.muli %add3A_39, %mul3A_40 : i32
      %dma_start3A_42 = arith.constant 0 : i32
      %dma_start3A_43 = tpu.memref_slice %arg3[%mul3A_41, %dma_start3A_42] : memref<331776x128xf32, #tpu.memory_space<hbm>> -> memref<128x128xf32, #tpu.memory_space<hbm>>
      %dma_start3A_44 = arith.constant 0 : i32
      %dma_start3A_45 = tpu.memref_slice %arg3[%mul3A_41, %dma_start3A_44] : memref<331776x128xf32, #tpu.memory_space<hbm>> -> memref<128x128xf32, #tpu.memory_space<hbm>>
      tpu.enqueue_dma source(%dma_start3A_45 : memref<128x128xf32, #tpu.memory_space<hbm>>) target(%arg9 : memref<128x128xf32, #tpu.memory_space<vmem>>) target_semaphore(%arg12 : memref<!tpu.dma_semaphore, #tpu.memory_space<semaphore_mem>>)
      %dma_start3A_46 = arith.constant 1 : i32
      %dma_start3A_47 = arith.constant 0 : i32
      %dma_start3A_48 = tpu.memref_slice %arg4[%arg1, %dma_start3A_46, %dma_start3A_47] : memref<16x162x128xi32, #tpu.memory_space<hbm>> -> memref<1x1x128xi32, #tpu.memory_space<hbm>>
      %dma_start3A_49 = tpu.memref_squeeze %dma_start3A_48 : memref<1x1x128xi32, #tpu.memory_space<hbm>> -> memref<1x128xi32, #tpu.memory_space<hbm>>
      %dma_start3A_50 = arith.constant 1 : i32
      %dma_start3A_51 = arith.constant 0 : i32
      %dma_start3A_52 = tpu.memref_slice %arg4[%arg1, %dma_start3A_50, %dma_start3A_51] : memref<16x162x128xi32, #tpu.memory_space<hbm>> -> memref<1x1x128xi32, #tpu.memory_space<hbm>>
      %dma_start3A_53 = tpu.memref_squeeze %dma_start3A_52 : memref<1x1x128xi32, #tpu.memory_space<hbm>> -> memref<1x128xi32, #tpu.memory_space<hbm>>
      tpu.enqueue_dma source(%dma_start3A_53 : memref<1x128xi32, #tpu.memory_space<hbm>>) target(%arg8 : memref<1x128xi32, #tpu.memory_space<vmem>>) target_semaphore(%arg15 : memref<!tpu.dma_semaphore, #tpu.memory_space<semaphore_mem>>)
      %add3A_54 = arith.constant 1 : i32
      %add3A_55 = arith.addi %mul3A_0, %add3A_54 : i32
      %mul3A_56 = arith.constant 128 : i32
      %mul3A_57 = arith.muli %add3A_55, %mul3A_56 : i32
      %dma_start3A_58 = arith.constant 0 : i32
      %dma_start3A_59 = tpu.memref_slice %arg3[%mul3A_57, %dma_start3A_58] : memref<331776x128xf32, #tpu.memory_space<hbm>> -> memref<128x128xf32, #tpu.memory_space<hbm>>
      %dma_start3A_60 = arith.constant 0 : i32
      %dma_start3A_61 = tpu.memref_slice %arg3[%mul3A_57, %dma_start3A_60] : memref<331776x128xf32, #tpu.memory_space<hbm>> -> memref<128x128xf32, #tpu.memory_space<hbm>>
      tpu.enqueue_dma source(%dma_start3A_61 : memref<128x128xf32, #tpu.memory_space<hbm>>) target(%arg10 : memref<128x128xf32, #tpu.memory_space<vmem>>) target_semaphore(%arg13 : memref<!tpu.dma_semaphore, #tpu.memory_space<semaphore_mem>>)
      %scan3A_62 = arith.constant 0 : i32
      %scan3A_63 = arith.constant 0 : i32
      %scan3A_64 = arith.constant 81 : i32
      %scan3A_65 = arith.addi %scan3A_63, %scan3A_64 : i32
      %scan3A_66 = arith.constant 1 : i32
      %scan3A_67 = scf.for %scan3A_69 = %scan3A_63 to %scan3A_65 step %scan3A_66 iter_args(%scan3A_70 = %scan3A_62) -> (i32)  : i32 {
        %mul3A_71 = arith.constant 2 : i32
        %mul3A_72 = arith.muli %scan3A_69, %mul3A_71 : i32
        %dma_wait3A = arith.constant 0 : i32
        %dma_wait3A_73 = arith.constant 0 : i32
        %dma_wait3A_74 = tpu.memref_slice %arg4[%arg1, %dma_wait3A, %dma_wait3A_73] : memref<16x162x128xi32, #tpu.memory_space<hbm>> -> memref<1x1x128xi32, #tpu.memory_space<hbm>>
        %dma_wait3A_75 = tpu.memref_squeeze %dma_wait3A_74 : memref<1x1x128xi32, #tpu.memory_space<hbm>> -> memref<1x128xi32, #tpu.memory_space<hbm>>
        %dma_wait3A_76 = arith.constant 0 : i32
        %dma_wait3A_77 = arith.constant 0 : i32
        %dma_wait3A_78 = tpu.memref_slice %arg4[%arg1, %dma_wait3A_76, %dma_wait3A_77] : memref<16x162x128xi32, #tpu.memory_space<hbm>> -> memref<1x1x128xi32, #tpu.memory_space<hbm>>
        %dma_wait3A_79 = tpu.memref_squeeze %dma_wait3A_78 : memref<1x1x128xi32, #tpu.memory_space<hbm>> -> memref<1x128xi32, #tpu.memory_space<hbm>>
        tpu.wait_dma2 semaphore(%arg14 : memref<!tpu.dma_semaphore, #tpu.memory_space<semaphore_mem>>) src(%dma_wait3A_79 : memref<1x128xi32, #tpu.memory_space<hbm>>) dst(%arg7 : memref<1x128xi32, #tpu.memory_space<vmem>>)
        %dma_wait3A_80 = arith.constant 0 : i32
        %dma_wait3A_81 = arith.constant 0 : i32
        %dma_wait3A_82 = tpu.memref_slice %arg3[%dma_wait3A_80, %dma_wait3A_81] : memref<331776x128xf32, #tpu.memory_space<hbm>> -> memref<128x128xf32, #tpu.memory_space<hbm>>
        %dma_wait3A_83 = arith.constant 0 : i32
        %dma_wait3A_84 = arith.constant 0 : i32
        %dma_wait3A_85 = tpu.memref_slice %arg3[%dma_wait3A_83, %dma_wait3A_84] : memref<331776x128xf32, #tpu.memory_space<hbm>> -> memref<128x128xf32, #tpu.memory_space<hbm>>
        tpu.wait_dma2 semaphore(%arg12 : memref<!tpu.dma_semaphore, #tpu.memory_space<semaphore_mem>>) src(%dma_wait3A_85 : memref<128x128xf32, #tpu.memory_space<hbm>>) dst(%arg9 : memref<128x128xf32, #tpu.memory_space<vmem>>)
        %run_scoped3A = arith.constant 0 : i32
        "tpu.region"() ({
          %run_scoped3A_117 = tpu.sem_alloc : memref<!tpu.dma_semaphore, #tpu.memory_space<semaphore_mem>>
          %dma_start3A_118 = arith.constant 0 : i32
          %dma_start3A_119 = tpu.memref_slice %arg7[%run_scoped3A, %dma_start3A_118] : memref<1x128xi32, #tpu.memory_space<vmem>> -> memref<1x128xi32, #tpu.memory_space<vmem>>
          %dma_start3A_120 = tpu.memref_squeeze %dma_start3A_119 : memref<1x128xi32, #tpu.memory_space<vmem>> -> memref<128xi32, #tpu.memory_space<vmem>>
          %dma_start3A_121 = arith.constant 0 : i32
          %dma_start3A_122 = arith.constant 0 : i32
          %dma_start3A_123 = tpu.memref_slice %arg11[%dma_start3A_121, %dma_start3A_122] : memref<10240x128xf32, #tpu.memory_space<vmem_shared>> -> memref<10240x128xf32, #tpu.memory_space<vmem_shared>>
          tpu.enqueue_indirect_dma source(%arg9 : memref<128x128xf32, #tpu.memory_space<vmem>>) target(%dma_start3A_123 : memref<10240x128xf32, #tpu.memory_space<vmem_shared>>) offsets(%dma_start3A_120 : memref<128xi32, #tpu.memory_space<vmem>>) semaphore(%run_scoped3A_117 : memref<!tpu.dma_semaphore, #tpu.memory_space<semaphore_mem>>) {add = true}
          %dma_wait3A_124 = arith.constant 0 : i32
          %dma_wait3A_125 = tpu.memref_slice %arg7[%run_scoped3A, %dma_wait3A_124] : memref<1x128xi32, #tpu.memory_space<vmem>> -> memref<1x128xi32, #tpu.memory_space<vmem>>
          %dma_wait3A_126 = tpu.memref_squeeze %dma_wait3A_125 : memref<1x128xi32, #tpu.memory_space<vmem>> -> memref<128xi32, #tpu.memory_space<vmem>>
          %dma_wait3A_127 = arith.constant 0 : i32
          %dma_wait3A_128 = arith.constant 0 : i32
          %dma_wait3A_129 = tpu.memref_slice %arg11[%dma_wait3A_127, %dma_wait3A_128] : memref<10240x128xf32, #tpu.memory_space<vmem_shared>> -> memref<10240x128xf32, #tpu.memory_space<vmem_shared>>
          tpu.wait_indirect_dma semaphore(%run_scoped3A_117 : memref<!tpu.dma_semaphore, #tpu.memory_space<semaphore_mem>>) src(%arg9 : memref<128x128xf32, #tpu.memory_space<vmem>>) dst(%dma_wait3A_129 : memref<10240x128xf32, #tpu.memory_space<vmem_shared>>)
          tpu.yield
        }) : () -> ()
        %add3A_86 = arith.constant 2 : i32
        %add3A_87 = arith.addi %mul3A_72, %add3A_86 : i32
        %lt3A = arith.constant 162 : i32
        %lt3A_88 = arith.cmpi slt, %add3A_87, %lt3A : i32
        %convert_element_type3A_89 = arith.extui %lt3A_88 : i1 to i32
        %cond3A_90 = arith.constant 0 : i32
        %cond3A_91 = arith.cmpi ne, %convert_element_type3A_89, %cond3A_90 : i32
        scf.if %cond3A_91 {
          %add3A_117 = arith.constant 2 : i32
          %add3A_118 = arith.addi %mul3A_72, %add3A_117 : i32
          %dma_start3A_119 = arith.constant 0 : i32
          %dma_start3A_120 = tpu.memref_slice %arg4[%arg1, %add3A_118, %dma_start3A_119] : memref<16x162x128xi32, #tpu.memory_space<hbm>> -> memref<1x1x128xi32, #tpu.memory_space<hbm>>
          %dma_start3A_121 = tpu.memref_squeeze %dma_start3A_120 : memref<1x1x128xi32, #tpu.memory_space<hbm>> -> memref<1x128xi32, #tpu.memory_space<hbm>>
          %dma_start3A_122 = arith.constant 0 : i32
          %dma_start3A_123 = tpu.memref_slice %arg4[%arg1, %add3A_118, %dma_start3A_122] : memref<16x162x128xi32, #tpu.memory_space<hbm>> -> memref<1x1x128xi32, #tpu.memory_space<hbm>>
          %dma_start3A_124 = tpu.memref_squeeze %dma_start3A_123 : memref<1x1x128xi32, #tpu.memory_space<hbm>> -> memref<1x128xi32, #tpu.memory_space<hbm>>
          tpu.enqueue_dma source(%dma_start3A_124 : memref<1x128xi32, #tpu.memory_space<hbm>>) target(%arg7 : memref<1x128xi32, #tpu.memory_space<vmem>>) target_semaphore(%arg14 : memref<!tpu.dma_semaphore, #tpu.memory_space<semaphore_mem>>)
          %add3A_125 = arith.addi %mul3A_0, %add3A_118 : i32
          %mul3A_126 = arith.constant 128 : i32
          %mul3A_127 = arith.muli %add3A_125, %mul3A_126 : i32
          %dma_start3A_128 = arith.constant 0 : i32
          %dma_start3A_129 = tpu.memref_slice %arg3[%mul3A_127, %dma_start3A_128] : memref<331776x128xf32, #tpu.memory_space<hbm>> -> memref<128x128xf32, #tpu.memory_space<hbm>>
          %dma_start3A_130 = arith.constant 0 : i32
          %dma_start3A_131 = tpu.memref_slice %arg3[%mul3A_127, %dma_start3A_130] : memref<331776x128xf32, #tpu.memory_space<hbm>> -> memref<128x128xf32, #tpu.memory_space<hbm>>
          tpu.enqueue_dma source(%dma_start3A_131 : memref<128x128xf32, #tpu.memory_space<hbm>>) target(%arg9 : memref<128x128xf32, #tpu.memory_space<vmem>>) target_semaphore(%arg12 : memref<!tpu.dma_semaphore, #tpu.memory_space<semaphore_mem>>)
        } else {
        }
        %add3A_92 = arith.constant 1 : i32
        %add3A_93 = arith.addi %mul3A_72, %add3A_92 : i32
        %dma_wait3A_94 = arith.constant 0 : i32
        %dma_wait3A_95 = arith.constant 0 : i32
        %dma_wait3A_96 = tpu.memref_slice %arg4[%arg1, %dma_wait3A_94, %dma_wait3A_95] : memref<16x162x128xi32, #tpu.memory_space<hbm>> -> memref<1x1x128xi32, #tpu.memory_space<hbm>>
        %dma_wait3A_97 = tpu.memref_squeeze %dma_wait3A_96 : memref<1x1x128xi32, #tpu.memory_space<hbm>> -> memref<1x128xi32, #tpu.memory_space<hbm>>
        %dma_wait3A_98 = arith.constant 0 : i32
        %dma_wait3A_99 = arith.constant 0 : i32
        %dma_wait3A_100 = tpu.memref_slice %arg4[%arg1, %dma_wait3A_98, %dma_wait3A_99] : memref<16x162x128xi32, #tpu.memory_space<hbm>> -> memref<1x1x128xi32, #tpu.memory_space<hbm>>
        %dma_wait3A_101 = tpu.memref_squeeze %dma_wait3A_100 : memref<1x1x128xi32, #tpu.memory_space<hbm>> -> memref<1x128xi32, #tpu.memory_space<hbm>>
        tpu.wait_dma2 semaphore(%arg15 : memref<!tpu.dma_semaphore, #tpu.memory_space<semaphore_mem>>) src(%dma_wait3A_101 : memref<1x128xi32, #tpu.memory_space<hbm>>) dst(%arg8 : memref<1x128xi32, #tpu.memory_space<vmem>>)
        %dma_wait3A_102 = arith.constant 0 : i32
        %dma_wait3A_103 = arith.constant 0 : i32
        %dma_wait3A_104 = tpu.memref_slice %arg3[%dma_wait3A_102, %dma_wait3A_103] : memref<331776x128xf32, #tpu.memory_space<hbm>> -> memref<128x128xf32, #tpu.memory_space<hbm>>
        %dma_wait3A_105 = arith.constant 0 : i32
        %dma_wait3A_106 = arith.constant 0 : i32
        %dma_wait3A_107 = tpu.memref_slice %arg3[%dma_wait3A_105, %dma_wait3A_106] : memref<331776x128xf32, #tpu.memory_space<hbm>> -> memref<128x128xf32, #tpu.memory_space<hbm>>
        tpu.wait_dma2 semaphore(%arg13 : memref<!tpu.dma_semaphore, #tpu.memory_space<semaphore_mem>>) src(%dma_wait3A_107 : memref<128x128xf32, #tpu.memory_space<hbm>>) dst(%arg10 : memref<128x128xf32, #tpu.memory_space<vmem>>)
        %run_scoped3A_108 = arith.constant 0 : i32
        "tpu.region"() ({
          %run_scoped3A_117 = tpu.sem_alloc : memref<!tpu.dma_semaphore, #tpu.memory_space<semaphore_mem>>
          %dma_start3A_118 = arith.constant 0 : i32
          %dma_start3A_119 = tpu.memref_slice %arg8[%run_scoped3A_108, %dma_start3A_118] : memref<1x128xi32, #tpu.memory_space<vmem>> -> memref<1x128xi32, #tpu.memory_space<vmem>>
          %dma_start3A_120 = tpu.memref_squeeze %dma_start3A_119 : memref<1x128xi32, #tpu.memory_space<vmem>> -> memref<128xi32, #tpu.memory_space<vmem>>
          %dma_start3A_121 = arith.constant 0 : i32
          %dma_start3A_122 = arith.constant 0 : i32
          %dma_start3A_123 = tpu.memref_slice %arg11[%dma_start3A_121, %dma_start3A_122] : memref<10240x128xf32, #tpu.memory_space<vmem_shared>> -> memref<10240x128xf32, #tpu.memory_space<vmem_shared>>
          tpu.enqueue_indirect_dma source(%arg10 : memref<128x128xf32, #tpu.memory_space<vmem>>) target(%dma_start3A_123 : memref<10240x128xf32, #tpu.memory_space<vmem_shared>>) offsets(%dma_start3A_120 : memref<128xi32, #tpu.memory_space<vmem>>) semaphore(%run_scoped3A_117 : memref<!tpu.dma_semaphore, #tpu.memory_space<semaphore_mem>>) {add = true}
          %dma_wait3A_124 = arith.constant 0 : i32
          %dma_wait3A_125 = tpu.memref_slice %arg8[%run_scoped3A_108, %dma_wait3A_124] : memref<1x128xi32, #tpu.memory_space<vmem>> -> memref<1x128xi32, #tpu.memory_space<vmem>>
          %dma_wait3A_126 = tpu.memref_squeeze %dma_wait3A_125 : memref<1x128xi32, #tpu.memory_space<vmem>> -> memref<128xi32, #tpu.memory_space<vmem>>
          %dma_wait3A_127 = arith.constant 0 : i32
          %dma_wait3A_128 = arith.constant 0 : i32
          %dma_wait3A_129 = tpu.memref_slice %arg11[%dma_wait3A_127, %dma_wait3A_128] : memref<10240x128xf32, #tpu.memory_space<vmem_shared>> -> memref<10240x128xf32, #tpu.memory_space<vmem_shared>>
          tpu.wait_indirect_dma semaphore(%run_scoped3A_117 : memref<!tpu.dma_semaphore, #tpu.memory_space<semaphore_mem>>) src(%arg10 : memref<128x128xf32, #tpu.memory_space<vmem>>) dst(%dma_wait3A_129 : memref<10240x128xf32, #tpu.memory_space<vmem_shared>>)
          tpu.yield
        }) : () -> ()
        %add3A_109 = arith.constant 3 : i32
        %add3A_110 = arith.addi %mul3A_72, %add3A_109 : i32
        %lt3A_111 = arith.constant 162 : i32
        %lt3A_112 = arith.cmpi slt, %add3A_110, %lt3A_111 : i32
        %convert_element_type3A_113 = arith.extui %lt3A_112 : i1 to i32
        %cond3A_114 = arith.constant 0 : i32
        %cond3A_115 = arith.cmpi ne, %convert_element_type3A_113, %cond3A_114 : i32
        scf.if %cond3A_115 {
          %add3A_117 = arith.constant 3 : i32
          %add3A_118 = arith.addi %mul3A_72, %add3A_117 : i32
          %dma_start3A_119 = arith.constant 0 : i32
          %dma_start3A_120 = tpu.memref_slice %arg4[%arg1, %add3A_118, %dma_start3A_119] : memref<16x162x128xi32, #tpu.memory_space<hbm>> -> memref<1x1x128xi32, #tpu.memory_space<hbm>>
          %dma_start3A_121 = tpu.memref_squeeze %dma_start3A_120 : memref<1x1x128xi32, #tpu.memory_space<hbm>> -> memref<1x128xi32, #tpu.memory_space<hbm>>
          %dma_start3A_122 = arith.constant 0 : i32
          %dma_start3A_123 = tpu.memref_slice %arg4[%arg1, %add3A_118, %dma_start3A_122] : memref<16x162x128xi32, #tpu.memory_space<hbm>> -> memref<1x1x128xi32, #tpu.memory_space<hbm>>
          %dma_start3A_124 = tpu.memref_squeeze %dma_start3A_123 : memref<1x1x128xi32, #tpu.memory_space<hbm>> -> memref<1x128xi32, #tpu.memory_space<hbm>>
          tpu.enqueue_dma source(%dma_start3A_124 : memref<1x128xi32, #tpu.memory_space<hbm>>) target(%arg8 : memref<1x128xi32, #tpu.memory_space<vmem>>) target_semaphore(%arg15 : memref<!tpu.dma_semaphore, #tpu.memory_space<semaphore_mem>>)
          %add3A_125 = arith.addi %mul3A_0, %add3A_118 : i32
          %mul3A_126 = arith.constant 128 : i32
          %mul3A_127 = arith.muli %add3A_125, %mul3A_126 : i32
          %dma_start3A_128 = arith.constant 0 : i32
          %dma_start3A_129 = tpu.memref_slice %arg3[%mul3A_127, %dma_start3A_128] : memref<331776x128xf32, #tpu.memory_space<hbm>> -> memref<128x128xf32, #tpu.memory_space<hbm>>
          %dma_start3A_130 = arith.constant 0 : i32
          %dma_start3A_131 = tpu.memref_slice %arg3[%mul3A_127, %dma_start3A_130] : memref<331776x128xf32, #tpu.memory_space<hbm>> -> memref<128x128xf32, #tpu.memory_space<hbm>>
          tpu.enqueue_dma source(%dma_start3A_131 : memref<128x128xf32, #tpu.memory_space<hbm>>) target(%arg10 : memref<128x128xf32, #tpu.memory_space<vmem>>) target_semaphore(%arg13 : memref<!tpu.dma_semaphore, #tpu.memory_space<semaphore_mem>>)
        } else {
        }
        %scan3A_116 = arith.constant 0 : i32
        scf.yield %scan3A_116 : i32
      }
      %scan3A_68 = arith.constant 81 : i32
    } else {
    }
    %barrier3A_21 = arith.constant 0 : index
    tpu.barrier barrier_id(%barrier3A_21)
    %eq3A_22 = arith.constant 0 : i32
    %eq3A_23 = arith.cmpi eq, %arg0, %eq3A_22 : i32
    %convert_element_type3A_24 = arith.extui %eq3A_23 : i1 to i32
    %cond3A_25 = arith.constant 0 : i32
    %cond3A_26 = arith.cmpi ne, %convert_element_type3A_24, %cond3A_25 : i32
    scf.if %cond3A_26 {
      %scan3A_32 = arith.constant 0 : i32
      %scan3A_33 = arith.constant 0 : i32
      %scan3A_34 = arith.constant 5 : i32
      %scan3A_35 = arith.addi %scan3A_33, %scan3A_34 : i32
      %scan3A_36 = arith.constant 1 : i32
      %scan3A_37 = scf.for %scan3A_39 = %scan3A_33 to %scan3A_35 step %scan3A_36 iter_args(%scan3A_40 = %scan3A_32) -> (i32)  : i32 {
        %mul3A_41 = arith.constant 640 : i32
        %mul3A_42 = arith.muli %arg1, %mul3A_41 : i32
        %mul3A_43 = arith.constant 128 : i32
        %mul3A_44 = arith.muli %scan3A_39, %mul3A_43 : i32
        %add3A = arith.addi %mul3A_42, %mul3A_44 : i32
        "tpu.region"() ({
          %run_scoped3A = tpu.sem_alloc : memref<!tpu.dma_semaphore, #tpu.memory_space<semaphore_mem>>
          %dma_start3A = arith.constant 0 : i32
          %dma_start3A_46 = tpu.memref_slice %arg5[%add3A, %dma_start3A] : memref<10240x128xf32, #tpu.memory_space<hbm>> -> memref<128x128xf32, #tpu.memory_space<hbm>>
          %dma_start3A_47 = arith.constant 0 : i32
          %dma_start3A_48 = tpu.memref_slice %arg11[%add3A, %dma_start3A_47] : memref<10240x128xf32, #tpu.memory_space<vmem_shared>> -> memref<128x128xf32, #tpu.memory_space<vmem_shared>>
          tpu.enqueue_dma source(%dma_start3A_48 : memref<128x128xf32, #tpu.memory_space<vmem_shared>>) target(%dma_start3A_46 : memref<128x128xf32, #tpu.memory_space<hbm>>) target_semaphore(%run_scoped3A : memref<!tpu.dma_semaphore, #tpu.memory_space<semaphore_mem>>)
          %dma_wait3A = arith.constant 0 : i32
          %dma_wait3A_49 = tpu.memref_slice %arg5[%add3A, %dma_wait3A] : memref<10240x128xf32, #tpu.memory_space<hbm>> -> memref<128x128xf32, #tpu.memory_space<hbm>>
          %dma_wait3A_50 = arith.constant 0 : i32
          %dma_wait3A_51 = tpu.memref_slice %arg11[%add3A, %dma_wait3A_50] : memref<10240x128xf32, #tpu.memory_space<vmem_shared>> -> memref<128x128xf32, #tpu.memory_space<vmem_shared>>
          tpu.wait_dma2 semaphore(%run_scoped3A : memref<!tpu.dma_semaphore, #tpu.memory_space<semaphore_mem>>) src(%dma_wait3A_51 : memref<128x128xf32, #tpu.memory_space<vmem_shared>>) dst(%dma_wait3A_49 : memref<128x128xf32, #tpu.memory_space<hbm>>)
          tpu.yield
        }) : () -> ()
        %scan3A_45 = arith.constant 0 : i32
        scf.yield %scan3A_45 : i32
      }
      %scan3A_38 = arith.constant 5 : i32
    } else {
    }
    %eq3A_27 = arith.constant 1 : i32
    %eq3A_28 = arith.cmpi eq, %arg0, %eq3A_27 : i32
    %convert_element_type3A_29 = arith.extui %eq3A_28 : i1 to i32
    %cond3A_30 = arith.constant 0 : i32
    %cond3A_31 = arith.cmpi ne, %convert_element_type3A_29, %cond3A_30 : i32
    scf.if %cond3A_31 {
      %scan3A_32 = arith.constant 0 : i32
      %scan3A_33 = arith.constant 0 : i32
      %scan3A_34 = arith.constant 5 : i32
      %scan3A_35 = arith.addi %scan3A_33, %scan3A_34 : i32
      %scan3A_36 = arith.constant 1 : i32
      %scan3A_37 = scf.for %scan3A_39 = %scan3A_33 to %scan3A_35 step %scan3A_36 iter_args(%scan3A_40 = %scan3A_32) -> (i32)  : i32 {
        %mul3A_41 = arith.constant 640 : i32
        %mul3A_42 = arith.muli %arg1, %mul3A_41 : i32
        %mul3A_43 = arith.constant 128 : i32
        %mul3A_44 = arith.muli %scan3A_39, %mul3A_43 : i32
        %add3A = arith.addi %mul3A_42, %mul3A_44 : i32
        "tpu.region"() ({
          %run_scoped3A = tpu.sem_alloc : memref<!tpu.dma_semaphore, #tpu.memory_space<semaphore_mem>>
          %dma_start3A = arith.constant 0 : i32
          %dma_start3A_46 = tpu.memref_slice %arg6[%add3A, %dma_start3A] : memref<10240x128xf32, #tpu.memory_space<hbm>> -> memref<128x128xf32, #tpu.memory_space<hbm>>
          %dma_start3A_47 = arith.constant 0 : i32
          %dma_start3A_48 = tpu.memref_slice %arg11[%add3A, %dma_start3A_47] : memref<10240x128xf32, #tpu.memory_space<vmem_shared>> -> memref<128x128xf32, #tpu.memory_space<vmem_shared>>
          tpu.enqueue_dma source(%dma_start3A_48 : memref<128x128xf32, #tpu.memory_space<vmem_shared>>) target(%dma_start3A_46 : memref<128x128xf32, #tpu.memory_space<hbm>>) target_semaphore(%run_scoped3A : memref<!tpu.dma_semaphore, #tpu.memory_space<semaphore_mem>>)
          %dma_wait3A = arith.constant 0 : i32
          %dma_wait3A_49 = tpu.memref_slice %arg6[%add3A, %dma_wait3A] : memref<10240x128xf32, #tpu.memory_space<hbm>> -> memref<128x128xf32, #tpu.memory_space<hbm>>
          %dma_wait3A_50 = arith.constant 0 : i32
          %dma_wait3A_51 = tpu.memref_slice %arg11[%add3A, %dma_wait3A_50] : memref<10240x128xf32, #tpu.memory_space<vmem_shared>> -> memref<128x128xf32, #tpu.memory_space<vmem_shared>>
          tpu.wait_dma2 semaphore(%run_scoped3A : memref<!tpu.dma_semaphore, #tpu.memory_space<semaphore_mem>>) src(%dma_wait3A_51 : memref<128x128xf32, #tpu.memory_space<vmem_shared>>) dst(%dma_wait3A_49 : memref<128x128xf32, #tpu.memory_space<hbm>>)
          tpu.yield
        }) : () -> ()
        %scan3A_45 = arith.constant 0 : i32
        scf.yield %scan3A_45 : i32
      }
      %scan3A_38 = arith.constant 5 : i32
    } else {
    }
    return
  }
}

module attributes {stable_mosaic.version = 14 : i64} {
  func.func @_mm_body(%arg0: i32, %arg1: memref<1000x128xf32, #tpu.memory_space<vmem>>, %arg2: memref<128x128xf32, #tpu.memory_space<vmem>>, %arg3: memref<1x128xf32, #tpu.memory_space<vmem>>, %arg4: memref<128x128xf32, #tpu.memory_space<vmem>>, %arg5: memref<1x128xf32, #tpu.memory_space<vmem>>, %arg6: memref<1000x128xf32, #tpu.memory_space<vmem>>) attributes {dimension_semantics = [#tpu.dimension_semantics<arbitrary>], iteration_bounds = array<i64: 10>, scalar_prefetch = 0 : i64, scratch_operands = 0 : i64, tpu.core_type = #tpu.core_type<tc>, window_params = [{transform_indices = @transform_0, window_bounds = array<i64: 1000, 128>}, {pipeline_mode = #tpu.pipeline_mode<synchronous>, transform_indices = @transform_1, window_bounds = array<i64: 128, 128>}, {pipeline_mode = #tpu.pipeline_mode<synchronous>, transform_indices = @transform_2, window_bounds = array<i64: 1, 128>}, {pipeline_mode = #tpu.pipeline_mode<synchronous>, transform_indices = @transform_3, window_bounds = array<i64: 128, 128>}, {pipeline_mode = #tpu.pipeline_mode<synchronous>, transform_indices = @transform_4, window_bounds = array<i64: 1, 128>}, {transform_indices = @transform_5, window_bounds = array<i64: 1000, 128>}]} {
    %get3A = arith.constant 0 : index
    %get3A_0 = arith.constant 0 : index
    %get3A_1 = vector.load %arg1[%get3A, %get3A_0] : memref<1000x128xf32, #tpu.memory_space<vmem>>, vector<1000x128xf32>
    %get3A_2 = arith.constant 0 : index
    %get3A_3 = arith.constant 0 : index
    %get3A_4 = vector.load %arg2[%get3A_2, %get3A_3] : memref<128x128xf32, #tpu.memory_space<vmem>>, vector<128x128xf32>
    %dot_general3A = arith.constant dense<0.000000e+00> : vector<1000x128xf32>
    %dot_general3A_5 = tpu.matmul %get3A_1, %get3A_4, %dot_general3A {dimension_numbers = #tpu.dot_dimension_numbers<[1], [0], [0], [1], [0, 0, 1, 1], [], []>, transpose_lhs_hint = false} : vector<1000x128xf32>, vector<128x128xf32>, vector<1000x128xf32> -> vector<1000x128xf32>
    %get3A_6 = arith.constant 0 : index
    %get3A_7 = arith.constant 0 : index
    %get3A_8 = vector.load %arg3[%get3A_6, %get3A_7] : memref<1x128xf32, #tpu.memory_space<vmem>>, vector<1x128xf32>
    %add3A = vector.broadcast %get3A_8 : vector<1x128xf32> to vector<1000x128xf32>
    %add3A_9 = arith.addf %dot_general3A_5, %add3A : vector<1000x128xf32>
    %get3A_10 = arith.constant 0 : index
    %get3A_11 = arith.constant 0 : index
    %get3A_12 = vector.load %arg4[%get3A_10, %get3A_11] : memref<128x128xf32, #tpu.memory_space<vmem>>, vector<128x128xf32>
    %dot_general3A_13 = arith.constant dense<0.000000e+00> : vector<1000x128xf32>
    %dot_general3A_14 = tpu.matmul %get3A_1, %get3A_12, %dot_general3A_13 {dimension_numbers = #tpu.dot_dimension_numbers<[1], [0], [0], [1], [0, 0, 1, 1], [], []>, transpose_lhs_hint = false} : vector<1000x128xf32>, vector<128x128xf32>, vector<1000x128xf32> -> vector<1000x128xf32>
    %get3A_15 = arith.constant 0 : index
    %get3A_16 = arith.constant 0 : index
    %get3A_17 = vector.load %arg5[%get3A_15, %get3A_16] : memref<1x128xf32, #tpu.memory_space<vmem>>, vector<1x128xf32>
    %add3A_18 = vector.broadcast %get3A_17 : vector<1x128xf32> to vector<1000x128xf32>
    %add3A_19 = arith.addf %dot_general3A_14, %add3A_18 : vector<1000x128xf32>
    %slice3A = vector.extract_strided_slice %add3A_9 {offsets = [0, 0], sizes = [1000, 64], strides = [1, 1]} : vector<1000x128xf32> to vector<1000x64xf32>
    %slice3A_20 = vector.extract_strided_slice %add3A_9 {offsets = [0, 64], sizes = [1000, 64], strides = [1, 1]} : vector<1000x128xf32> to vector<1000x64xf32>
    %convert_element_type3A = arith.truncf %slice3A : vector<1000x64xf32> to vector<1000x64xbf16>
    %bitcast_convert_type3A = tpu.bitcast %convert_element_type3A : vector<1000x64xbf16> -> vector<1000x64xi16>
    %convert_element_type3A_21 = arith.extui %bitcast_convert_type3A : vector<1000x64xi16> to vector<1000x64xi32>
    %convert_element_type3A_22 = arith.truncf %slice3A_20 : vector<1000x64xf32> to vector<1000x64xbf16>
    %bitcast_convert_type3A_23 = tpu.bitcast %convert_element_type3A_22 : vector<1000x64xbf16> -> vector<1000x64xi16>
    %convert_element_type3A_24 = arith.extui %bitcast_convert_type3A_23 : vector<1000x64xi16> to vector<1000x64xi32>
    %shift_left3A = arith.constant 16 : i32
    %shift_left3A_25 = vector.broadcast %shift_left3A : i32 to vector<1000x64xi32>
    %shift_left3A_26 = arith.shli %convert_element_type3A_24, %shift_left3A_25 : vector<1000x64xi32>
    %or3A = arith.ori %convert_element_type3A_21, %shift_left3A_26 : vector<1000x64xi32>
    %bitcast_convert_type3A_27 = tpu.bitcast %or3A : vector<1000x64xi32> -> vector<1000x64xf32>
    %slice3A_28 = vector.extract_strided_slice %add3A_19 {offsets = [0, 0], sizes = [1000, 64], strides = [1, 1]} : vector<1000x128xf32> to vector<1000x64xf32>
    %slice3A_29 = vector.extract_strided_slice %add3A_19 {offsets = [0, 64], sizes = [1000, 64], strides = [1, 1]} : vector<1000x128xf32> to vector<1000x64xf32>
    %convert_element_type3A_30 = arith.truncf %slice3A_28 : vector<1000x64xf32> to vector<1000x64xbf16>
    %bitcast_convert_type3A_31 = tpu.bitcast %convert_element_type3A_30 : vector<1000x64xbf16> -> vector<1000x64xi16>
    %convert_element_type3A_32 = arith.extui %bitcast_convert_type3A_31 : vector<1000x64xi16> to vector<1000x64xi32>
    %convert_element_type3A_33 = arith.truncf %slice3A_29 : vector<1000x64xf32> to vector<1000x64xbf16>
    %bitcast_convert_type3A_34 = tpu.bitcast %convert_element_type3A_33 : vector<1000x64xbf16> -> vector<1000x64xi16>
    %convert_element_type3A_35 = arith.extui %bitcast_convert_type3A_34 : vector<1000x64xi16> to vector<1000x64xi32>
    %shift_left3A_36 = arith.constant 16 : i32
    %shift_left3A_37 = vector.broadcast %shift_left3A_36 : i32 to vector<1000x64xi32>
    %shift_left3A_38 = arith.shli %convert_element_type3A_35, %shift_left3A_37 : vector<1000x64xi32>
    %or3A_39 = arith.ori %convert_element_type3A_32, %shift_left3A_38 : vector<1000x64xi32>
    %bitcast_convert_type3A_40 = tpu.bitcast %or3A_39 : vector<1000x64xi32> -> vector<1000x64xf32>
    %concatenate3A = tpu.concatenate %bitcast_convert_type3A_27, %bitcast_convert_type3A_40 in 1 : vector<1000x64xf32>, vector<1000x64xf32> -> vector<1000x128xf32>
    %swap3A = arith.constant 0 : index
    %swap3A_41 = arith.constant 0 : index
    %swap3A_42 = vector.load %arg6[%swap3A, %swap3A_41] : memref<1000x128xf32, #tpu.memory_space<vmem>>, vector<1000x128xf32>
    tpu.vector_store %arg6[%swap3A, %swap3A_41], %concatenate3A {strides = array<i32>} : memref<1000x128xf32, #tpu.memory_space<vmem>>, vector<1000x128xf32>,
    return
  }
  func.func @transform_0(%arg0: i32) -> (i32, i32) {
    %c0_i32 = arith.constant 0 : i32
    %c0_i32_0 = arith.constant 0 : i32
    return %arg0, %c0_i32 : i32, i32
  }
  func.func @transform_1(%arg0: i32) -> (i32, i32) {
    %c0_i32 = arith.constant 0 : i32
    %c0_i32_0 = arith.constant 0 : i32
    %c0_i32_1 = arith.constant 0 : i32
    return %c0_i32, %c0_i32_0 : i32, i32
  }
  func.func @transform_2(%arg0: i32) -> (i32, i32) {
    %c0_i32 = arith.constant 0 : i32
    %c0_i32_0 = arith.constant 0 : i32
    %c0_i32_1 = arith.constant 0 : i32
    return %c0_i32, %c0_i32_0 : i32, i32
  }
  func.func @transform_3(%arg0: i32) -> (i32, i32) {
    %c0_i32 = arith.constant 0 : i32
    %c0_i32_0 = arith.constant 0 : i32
    %c0_i32_1 = arith.constant 0 : i32
    return %c0_i32, %c0_i32_0 : i32, i32
  }
  func.func @transform_4(%arg0: i32) -> (i32, i32) {
    %c0_i32 = arith.constant 0 : i32
    %c0_i32_0 = arith.constant 0 : i32
    %c0_i32_1 = arith.constant 0 : i32
    return %c0_i32, %c0_i32_0 : i32, i32
  }
  func.func @transform_5(%arg0: i32) -> (i32, i32) {
    %c0_i32 = arith.constant 0 : i32
    %c0_i32_0 = arith.constant 0 : i32
    return %arg0, %c0_i32 : i32, i32
  }
}

module attributes {stable_mosaic.version = 14 : i64} {
  func.func @_logits_body(%arg0: i32, %arg1: memref<2048x128xf32, #tpu.memory_space<vmem>>, %arg2: memref<1x128xf32, #tpu.memory_space<vmem>>, %arg3: memref<128x8xf32, #tpu.memory_space<vmem>>, %arg4: memref<2048x8xf32, #tpu.memory_space<vmem>>, %arg5: memref<1x128xf32, #tpu.memory_space<vmem>>) attributes {dimension_semantics = [#tpu.dimension_semantics<arbitrary>], iteration_bounds = array<i64: 162>, scalar_prefetch = 0 : i64, scratch_operands = 0 : i64, tpu.core_type = #tpu.core_type<tc>, window_params = [{transform_indices = @transform_0, window_bounds = array<i64: 2048, 128>}, {pipeline_mode = #tpu.pipeline_mode<synchronous>, transform_indices = @transform_1, window_bounds = array<i64: 1, 128>}, {pipeline_mode = #tpu.pipeline_mode<synchronous>, transform_indices = @transform_2, window_bounds = array<i64: 128, 8>}, {transform_indices = @transform_3, window_bounds = array<i64: 2048, 8>}, {pipeline_mode = #tpu.pipeline_mode<synchronous>, transform_indices = @transform_4, window_bounds = array<i64: 1, 128>}]} {
    %get3A = arith.constant 0 : index
    %get3A_0 = arith.constant 0 : index
    %get3A_1 = vector.load %arg1[%get3A, %get3A_0] : memref<2048x128xf32, #tpu.memory_space<vmem>>, vector<2048x64xf32>
    %bitcast_convert_type3A = tpu.bitcast %get3A_1 : vector<2048x64xf32> -> vector<2048x64xi32>
    %shift_left3A = arith.constant 16 : i32
    %shift_left3A_2 = vector.broadcast %shift_left3A : i32 to vector<2048x64xi32>
    %shift_left3A_3 = arith.shli %bitcast_convert_type3A, %shift_left3A_2 : vector<2048x64xi32>
    %bitcast_convert_type3A_4 = tpu.bitcast %shift_left3A_3 : vector<2048x64xi32> -> vector<2048x64xf32>
    %and3A = arith.constant -65536 : i32
    %and3A_5 = vector.broadcast %and3A : i32 to vector<2048x64xi32>
    %and3A_6 = arith.andi %bitcast_convert_type3A, %and3A_5 : vector<2048x64xi32>
    %bitcast_convert_type3A_7 = tpu.bitcast %and3A_6 : vector<2048x64xi32> -> vector<2048x64xf32>
    %get3A_8 = arith.constant 0 : index
    %get3A_9 = arith.constant 64 : index
    %get3A_10 = vector.load %arg1[%get3A_8, %get3A_9] : memref<2048x128xf32, #tpu.memory_space<vmem>>, vector<2048x64xf32>
    %bitcast_convert_type3A_11 = tpu.bitcast %get3A_10 : vector<2048x64xf32> -> vector<2048x64xi32>
    %shift_left3A_12 = arith.constant 16 : i32
    %shift_left3A_13 = vector.broadcast %shift_left3A_12 : i32 to vector<2048x64xi32>
    %shift_left3A_14 = arith.shli %bitcast_convert_type3A_11, %shift_left3A_13 : vector<2048x64xi32>
    %bitcast_convert_type3A_15 = tpu.bitcast %shift_left3A_14 : vector<2048x64xi32> -> vector<2048x64xf32>
    %and3A_16 = arith.constant -65536 : i32
    %and3A_17 = vector.broadcast %and3A_16 : i32 to vector<2048x64xi32>
    %and3A_18 = arith.andi %bitcast_convert_type3A_11, %and3A_17 : vector<2048x64xi32>
    %bitcast_convert_type3A_19 = tpu.bitcast %and3A_18 : vector<2048x64xi32> -> vector<2048x64xf32>
    %add3A = arith.addf %bitcast_convert_type3A_4, %bitcast_convert_type3A_15 : vector<2048x64xf32>
    %add3A_20 = arith.addf %bitcast_convert_type3A_7, %bitcast_convert_type3A_19 : vector<2048x64xf32>
    %ge3A = arith.constant 0.000000e+00 : f32
    %ge3A_21 = vector.broadcast %ge3A : f32 to vector<2048x64xf32>
    %ge3A_22 = arith.cmpf oge, %add3A, %ge3A_21 : vector<2048x64xf32>
    %mul3A = arith.constant 2.000000e-01 : f32
    %mul3A_23 = vector.broadcast %mul3A : f32 to vector<2048x64xf32>
    %mul3A_24 = arith.mulf %mul3A_23, %add3A : vector<2048x64xf32>
    %select_n3A = arith.select %ge3A_22, %add3A, %mul3A_24 : vector<2048x64xi1>, vector<2048x64xf32>
    %get3A_25 = arith.constant 0 : index
    %get3A_26 = arith.constant 0 : index
    %get3A_27 = vector.load %arg2[%get3A_25, %get3A_26] : memref<1x128xf32, #tpu.memory_space<vmem>>, vector<1x64xf32>
    %mul3A_28 = vector.broadcast %get3A_27 : vector<1x64xf32> to vector<2048x64xf32>
    %mul3A_29 = arith.mulf %select_n3A, %mul3A_28 : vector<2048x64xf32>
    %ge3A_30 = arith.constant 0.000000e+00 : f32
    %ge3A_31 = vector.broadcast %ge3A_30 : f32 to vector<2048x64xf32>
    %ge3A_32 = arith.cmpf oge, %add3A_20, %ge3A_31 : vector<2048x64xf32>
    %mul3A_33 = arith.constant 2.000000e-01 : f32
    %mul3A_34 = vector.broadcast %mul3A_33 : f32 to vector<2048x64xf32>
    %mul3A_35 = arith.mulf %mul3A_34, %add3A_20 : vector<2048x64xf32>
    %select_n3A_36 = arith.select %ge3A_32, %add3A_20, %mul3A_35 : vector<2048x64xi1>, vector<2048x64xf32>
    %get3A_37 = arith.constant 0 : index
    %get3A_38 = arith.constant 64 : index
    %get3A_39 = vector.load %arg2[%get3A_37, %get3A_38] : memref<1x128xf32, #tpu.memory_space<vmem>>, vector<1x64xf32>
    %mul3A_40 = vector.broadcast %get3A_39 : vector<1x64xf32> to vector<2048x64xf32>
    %mul3A_41 = arith.mulf %select_n3A_36, %mul3A_40 : vector<2048x64xf32>
    %get3A_42 = arith.constant 0 : index
    %get3A_43 = arith.constant 0 : index
    %get3A_44 = vector.load %arg3[%get3A_42, %get3A_43] : memref<128x8xf32, #tpu.memory_space<vmem>>, vector<64x8xf32>
    %dot_general3A = arith.constant dense<0.000000e+00> : vector<2048x8xf32>
    %dot_general3A_45 = tpu.matmul %mul3A_29, %get3A_44, %dot_general3A {dimension_numbers = #tpu.dot_dimension_numbers<[1], [0], [0], [1], [0, 0, 1, 1], [], []>, transpose_lhs_hint = false} : vector<2048x64xf32>, vector<64x8xf32>, vector<2048x8xf32> -> vector<2048x8xf32>
    %get3A_46 = arith.constant 64 : index
    %get3A_47 = arith.constant 0 : index
    %get3A_48 = vector.load %arg3[%get3A_46, %get3A_47] : memref<128x8xf32, #tpu.memory_space<vmem>>, vector<64x8xf32>
    %dot_general3A_49 = arith.constant dense<0.000000e+00> : vector<2048x8xf32>
    %dot_general3A_50 = tpu.matmul %mul3A_41, %get3A_48, %dot_general3A_49 {dimension_numbers = #tpu.dot_dimension_numbers<[1], [0], [0], [1], [0, 0, 1, 1], [], []>, transpose_lhs_hint = false} : vector<2048x64xf32>, vector<64x8xf32>, vector<2048x8xf32> -> vector<2048x8xf32>
    %add3A_51 = arith.addf %dot_general3A_45, %dot_general3A_50 : vector<2048x8xf32>
    %swap3A = arith.constant 0 : index
    %swap3A_52 = arith.constant 0 : index
    %swap3A_53 = vector.load %arg4[%swap3A, %swap3A_52] : memref<2048x8xf32, #tpu.memory_space<vmem>>, vector<2048x8xf32>
    tpu.vector_store %arg4[%swap3A, %swap3A_52], %add3A_51 {strides = array<i32>} : memref<2048x8xf32, #tpu.memory_space<vmem>>, vector<2048x8xf32>,
    %eq3A = arith.constant 0 : i32
    %eq3A_54 = arith.cmpi eq, %arg0, %eq3A : i32
    %convert_element_type3A = arith.extui %eq3A_54 : i1 to i32
    %cond3A = arith.constant 0 : i32
    %cond3A_55 = arith.cmpi ne, %convert_element_type3A, %cond3A : i32
    scf.if %cond3A_55 {
      %broadcast_in_dim3A = arith.constant 0xFF800000 : f32
      %broadcast_in_dim3A_67 = vector.broadcast %broadcast_in_dim3A : f32 to vector<1x128xf32>
      %swap3A_68 = arith.constant 0 : index
      %swap3A_69 = arith.constant 0 : index
      %swap3A_70 = vector.load %arg5[%swap3A_68, %swap3A_69] : memref<1x128xf32, #tpu.memory_space<vmem>>, vector<1x128xf32>
      tpu.vector_store %arg5[%swap3A_68, %swap3A_69], %broadcast_in_dim3A_67 {strides = array<i32>} : memref<1x128xf32, #tpu.memory_space<vmem>>, vector<1x128xf32>,
    } else {
    }
    %get3A_56 = arith.constant 0 : index
    %get3A_57 = arith.constant 0 : index
    %get3A_58 = vector.load %arg5[%get3A_56, %get3A_57] : memref<1x128xf32, #tpu.memory_space<vmem>>, vector<1x128xf32>
    %reduce_max3A = vector.shape_cast %add3A_51 : vector<2048x8xf32> to vector<1x2048x8xf32>
    %reduce_max3A_59 = arith.constant dense<0xFF800000> : vector<1xf32>
    %reduce_max3A_60 = vector.multi_reduction <maximumf>, %reduce_max3A, %reduce_max3A_59 [1, 2] : vector<1x2048x8xf32> to vector<1xf32>
    %reduce_max3A_61 = vector.shape_cast %reduce_max3A_60 : vector<1xf32> to vector<1x1x1xf32>
    %reduce_max3A_62 = vector.extract %reduce_max3A_61[0, 0, 0] : f32 from vector<1x1x1xf32>
    %max3A = vector.broadcast %reduce_max3A_62 : f32 to vector<1x128xf32>
    %max3A_63 = arith.maximumf %get3A_58, %max3A : vector<1x128xf32>
    %swap3A_64 = arith.constant 0 : index
    %swap3A_65 = arith.constant 0 : index
    %swap3A_66 = vector.load %arg5[%swap3A_64, %swap3A_65] : memref<1x128xf32, #tpu.memory_space<vmem>>, vector<1x128xf32>
    tpu.vector_store %arg5[%swap3A_64, %swap3A_65], %max3A_63 {strides = array<i32>} : memref<1x128xf32, #tpu.memory_space<vmem>>, vector<1x128xf32>,
    return
  }
  func.func @transform_0(%arg0: i32) -> (i32, i32) {
    %c0_i32 = arith.constant 0 : i32
    %c0_i32_0 = arith.constant 0 : i32
    return %arg0, %c0_i32 : i32, i32
  }
  func.func @transform_1(%arg0: i32) -> (i32, i32) {
    %c0_i32 = arith.constant 0 : i32
    %c0_i32_0 = arith.constant 0 : i32
    %c0_i32_1 = arith.constant 0 : i32
    return %c0_i32, %c0_i32_0 : i32, i32
  }
  func.func @transform_2(%arg0: i32) -> (i32, i32) {
    %c0_i32 = arith.constant 0 : i32
    %c0_i32_0 = arith.constant 0 : i32
    %c0_i32_1 = arith.constant 0 : i32
    return %c0_i32, %c0_i32_0 : i32, i32
  }
  func.func @transform_3(%arg0: i32) -> (i32, i32) {
    %c0_i32 = arith.constant 0 : i32
    %c0_i32_0 = arith.constant 0 : i32
    return %arg0, %c0_i32 : i32, i32
  }
  func.func @transform_4(%arg0: i32) -> (i32, i32) {
    %c0_i32 = arith.constant 0 : i32
    %c0_i32_0 = arith.constant 0 : i32
    %c0_i32_1 = arith.constant 0 : i32
    return %c0_i32, %c0_i32_0 : i32, i32
  }
}

module attributes {stable_mosaic.version = 14 : i64} {
  func.func @_weights_body(%arg0: i32, %arg1: memref<2048x128xf32, #tpu.memory_space<vmem>>, %arg2: memref<2048x8xf32, #tpu.memory_space<vmem>>, %arg3: memref<1x128xf32, #tpu.memory_space<vmem>>, %arg4: memref<8x128xf32, #tpu.memory_space<vmem>>, %arg5: memref<2048x128xf32, #tpu.memory_space<vmem>>, %arg6: memref<2048x128xf32, #tpu.memory_space<vmem>>) attributes {dimension_semantics = [#tpu.dimension_semantics<arbitrary>], iteration_bounds = array<i64: 162>, scalar_prefetch = 0 : i64, scratch_operands = 0 : i64, tpu.core_type = #tpu.core_type<tc>, window_params = [{transform_indices = @transform_0, window_bounds = array<i64: 2048, 128>}, {transform_indices = @transform_1, window_bounds = array<i64: 2048, 8>}, {pipeline_mode = #tpu.pipeline_mode<synchronous>, transform_indices = @transform_2, window_bounds = array<i64: 1, 128>}, {pipeline_mode = #tpu.pipeline_mode<synchronous>, transform_indices = @transform_3, window_bounds = array<i64: 8, 128>}, {transform_indices = @transform_4, window_bounds = array<i64: 2048, 128>}, {transform_indices = @transform_5, window_bounds = array<i64: 2048, 128>}]} {
    %get3A = arith.constant 0 : index
    %get3A_0 = arith.constant 0 : index
    %get3A_1 = vector.load %arg2[%get3A, %get3A_0] : memref<2048x8xf32, #tpu.memory_space<vmem>>, vector<2048x8xf32>
    %get3A_2 = arith.constant 0 : index
    %get3A_3 = arith.constant 0 : index
    %get3A_4 = vector.load %arg3[%get3A_2, %get3A_3] : memref<1x128xf32, #tpu.memory_space<vmem>>, vector<1x128xf32>
    %reduce_max3A = vector.shape_cast %get3A_4 : vector<1x128xf32> to vector<1x1x128xf32>
    %reduce_max3A_5 = arith.constant dense<0xFF800000> : vector<1xf32>
    %reduce_max3A_6 = vector.multi_reduction <maximumf>, %reduce_max3A, %reduce_max3A_5 [1, 2] : vector<1x1x128xf32> to vector<1xf32>
    %reduce_max3A_7 = vector.shape_cast %reduce_max3A_6 : vector<1xf32> to vector<1x1x1xf32>
    %reduce_max3A_8 = vector.extract %reduce_max3A_7[0, 0, 0] : f32 from vector<1x1x1xf32>
    %sub3A = vector.broadcast %reduce_max3A_8 : f32 to vector<2048x8xf32>
    %sub3A_9 = arith.subf %get3A_1, %sub3A : vector<2048x8xf32>
    %exp3A = math.exp %sub3A_9 : vector<2048x8xf32>
    %get3A_10 = arith.constant 0 : index
    %get3A_11 = arith.constant 0 : index
    %get3A_12 = vector.load %arg4[%get3A_10, %get3A_11] : memref<8x128xf32, #tpu.memory_space<vmem>>, vector<8x128xf32>
    %dot_general3A = arith.constant dense<0.000000e+00> : vector<2048x128xf32>
    %dot_general3A_13 = tpu.matmul %exp3A, %get3A_12, %dot_general3A {dimension_numbers = #tpu.dot_dimension_numbers<[1], [0], [0], [1], [0, 0, 1, 1], [], []>, transpose_lhs_hint = false} : vector<2048x8xf32>, vector<8x128xf32>, vector<2048x128xf32> -> vector<2048x128xf32>
    %get3A_14 = arith.constant 0 : index
    %get3A_15 = arith.constant 0 : index
    %get3A_16 = vector.load %arg1[%get3A_14, %get3A_15] : memref<2048x128xf32, #tpu.memory_space<vmem>>, vector<2048x64xf32>
    %bitcast_convert_type3A = tpu.bitcast %get3A_16 : vector<2048x64xf32> -> vector<2048x64xi32>
    %shift_left3A = arith.constant 16 : i32
    %shift_left3A_17 = vector.broadcast %shift_left3A : i32 to vector<2048x64xi32>
    %shift_left3A_18 = arith.shli %bitcast_convert_type3A, %shift_left3A_17 : vector<2048x64xi32>
    %bitcast_convert_type3A_19 = tpu.bitcast %shift_left3A_18 : vector<2048x64xi32> -> vector<2048x64xf32>
    %and3A = arith.constant -65536 : i32
    %and3A_20 = vector.broadcast %and3A : i32 to vector<2048x64xi32>
    %and3A_21 = arith.andi %bitcast_convert_type3A, %and3A_20 : vector<2048x64xi32>
    %bitcast_convert_type3A_22 = tpu.bitcast %and3A_21 : vector<2048x64xi32> -> vector<2048x64xf32>
    %swap3A = arith.constant 0 : index
    %swap3A_23 = arith.constant 0 : index
    %swap3A_24 = vector.load %arg6[%swap3A, %swap3A_23] : memref<2048x128xf32, #tpu.memory_space<vmem>>, vector<2048x128xf32>
    tpu.vector_store %arg6[%swap3A, %swap3A_23], %dot_general3A_13 {strides = array<i32>} : memref<2048x128xf32, #tpu.memory_space<vmem>>, vector<2048x128xf32>,
    %slice3A = vector.extract_strided_slice %dot_general3A_13 {offsets = [0, 0], sizes = [2048, 64], strides = [1, 1]} : vector<2048x128xf32> to vector<2048x64xf32>
    %mul3A = arith.mulf %bitcast_convert_type3A_19, %slice3A : vector<2048x64xf32>
    %slice3A_25 = vector.extract_strided_slice %dot_general3A_13 {offsets = [0, 64], sizes = [2048, 64], strides = [1, 1]} : vector<2048x128xf32> to vector<2048x64xf32>
    %mul3A_26 = arith.mulf %bitcast_convert_type3A_22, %slice3A_25 : vector<2048x64xf32>
    %concatenate3A = tpu.concatenate %mul3A, %mul3A_26 in 1 : vector<2048x64xf32>, vector<2048x64xf32> -> vector<2048x128xf32>
    %swap3A_27 = arith.constant 0 : index
    %swap3A_28 = arith.constant 0 : index
    %swap3A_29 = vector.load %arg5[%swap3A_27, %swap3A_28] : memref<2048x128xf32, #tpu.memory_space<vmem>>, vector<2048x128xf32>
    tpu.vector_store %arg5[%swap3A_27, %swap3A_28], %concatenate3A {strides = array<i32>} : memref<2048x128xf32, #tpu.memory_space<vmem>>, vector<2048x128xf32>,
    return
  }
  func.func @transform_0(%arg0: i32) -> (i32, i32) {
    %c0_i32 = arith.constant 0 : i32
    %c0_i32_0 = arith.constant 0 : i32
    return %arg0, %c0_i32 : i32, i32
  }
  func.func @transform_1(%arg0: i32) -> (i32, i32) {
    %c0_i32 = arith.constant 0 : i32
    %c0_i32_0 = arith.constant 0 : i32
    return %arg0, %c0_i32 : i32, i32
  }
  func.func @transform_2(%arg0: i32) -> (i32, i32) {
    %c0_i32 = arith.constant 0 : i32
    %c0_i32_0 = arith.constant 0 : i32
    %c0_i32_1 = arith.constant 0 : i32
    return %c0_i32, %c0_i32_0 : i32, i32
  }
  func.func @transform_3(%arg0: i32) -> (i32, i32) {
    %c0_i32 = arith.constant 0 : i32
    %c0_i32_0 = arith.constant 0 : i32
    %c0_i32_1 = arith.constant 0 : i32
    return %c0_i32, %c0_i32_0 : i32, i32
  }
  func.func @transform_4(%arg0: i32) -> (i32, i32) {
    %c0_i32 = arith.constant 0 : i32
    %c0_i32_0 = arith.constant 0 : i32
    return %arg0, %c0_i32 : i32, i32
  }
  func.func @transform_5(%arg0: i32) -> (i32, i32) {
    %c0_i32 = arith.constant 0 : i32
    %c0_i32_0 = arith.constant 0 : i32
    return %arg0, %c0_i32 : i32, i32
  }
}

module attributes {stable_mosaic.version = 14 : i64} {
  func.func @_final_body(%arg0: i32, %arg1: memref<1000x128xf32, #tpu.memory_space<vmem>>, %arg2: memref<1000x128xf32, #tpu.memory_space<vmem>>, %arg3: memref<1000x128xf32, #tpu.memory_space<vmem>>, %arg4: memref<1x128xf32, #tpu.memory_space<vmem>>, %arg5: memref<1x128xf32, #tpu.memory_space<vmem>>, %arg6: memref<1x128xf32, #tpu.memory_space<vmem>>, %arg7: memref<1000x128xf32, #tpu.memory_space<vmem>>) attributes {dimension_semantics = [#tpu.dimension_semantics<arbitrary>], iteration_bounds = array<i64: 10>, scalar_prefetch = 0 : i64, scratch_operands = 0 : i64, tpu.core_type = #tpu.core_type<tc>, window_params = [{transform_indices = @transform_0, window_bounds = array<i64: 1000, 128>}, {transform_indices = @transform_1, window_bounds = array<i64: 1000, 128>}, {transform_indices = @transform_2, window_bounds = array<i64: 1000, 128>}, {pipeline_mode = #tpu.pipeline_mode<synchronous>, transform_indices = @transform_3, window_bounds = array<i64: 1, 128>}, {pipeline_mode = #tpu.pipeline_mode<synchronous>, transform_indices = @transform_4, window_bounds = array<i64: 1, 128>}, {pipeline_mode = #tpu.pipeline_mode<synchronous>, transform_indices = @transform_5, window_bounds = array<i64: 1, 128>}, {transform_indices = @transform_6, window_bounds = array<i64: 1000, 128>}]} {
    %get3A = arith.constant 0 : index
    %get3A_0 = arith.constant 0 : index
    %get3A_1 = vector.load %arg1[%get3A, %get3A_0] : memref<1000x128xf32, #tpu.memory_space<vmem>>, vector<1000x128xf32>
    %get3A_2 = arith.constant 0 : index
    %get3A_3 = arith.constant 0 : index
    %get3A_4 = vector.load %arg2[%get3A_2, %get3A_3] : memref<1000x128xf32, #tpu.memory_space<vmem>>, vector<1000x128xf32>
    %get3A_5 = arith.constant 0 : index
    %get3A_6 = arith.constant 0 : index
    %get3A_7 = vector.load %arg3[%get3A_5, %get3A_6] : memref<1000x128xf32, #tpu.memory_space<vmem>>, vector<1000x128xf32>
    %add3A = arith.constant 1.000000e-16 : f32
    %add3A_8 = vector.broadcast %add3A : f32 to vector<1000x128xf32>
    %add3A_9 = arith.addf %get3A_7, %add3A_8 : vector<1000x128xf32>
    %div3A = arith.divf %get3A_4, %add3A_9 : vector<1000x128xf32>
    %add3A_10 = arith.addf %get3A_1, %div3A : vector<1000x128xf32>
    %get3A_11 = arith.constant 0 : index
    %get3A_12 = arith.constant 0 : index
    %get3A_13 = vector.load %arg4[%get3A_11, %get3A_12] : memref<1x128xf32, #tpu.memory_space<vmem>>, vector<1x128xf32>
    %add3A_14 = vector.broadcast %get3A_13 : vector<1x128xf32> to vector<1000x128xf32>
    %add3A_15 = arith.addf %add3A_10, %add3A_14 : vector<1000x128xf32>
    %reduce_sum3A = arith.constant dense<0.000000e+00> : vector<1000xf32>
    %reduce_sum3A_16 = vector.multi_reduction <add>, %add3A_15, %reduce_sum3A [1] : vector<1000x128xf32> to vector<1000xf32>
    %broadcast_in_dim3A = vector.shape_cast %reduce_sum3A_16 : vector<1000xf32> to vector<1000x1xf32>
    %div3A_17 = arith.constant 1.280000e+02 : f32
    %div3A_18 = vector.broadcast %div3A_17 : f32 to vector<1000x1xf32>
    %div3A_19 = arith.divf %broadcast_in_dim3A, %div3A_18 : vector<1000x1xf32>
    %sub3A = vector.broadcast %div3A_19 : vector<1000x1xf32> to vector<1000x128xf32>
    %sub3A_20 = arith.subf %add3A_15, %sub3A : vector<1000x128xf32>
    %mul3A = arith.mulf %sub3A_20, %sub3A_20 : vector<1000x128xf32>
    %reduce_sum3A_21 = arith.constant dense<0.000000e+00> : vector<1000xf32>
    %reduce_sum3A_22 = vector.multi_reduction <add>, %mul3A, %reduce_sum3A_21 [1] : vector<1000x128xf32> to vector<1000xf32>
    %broadcast_in_dim3A_23 = vector.shape_cast %reduce_sum3A_22 : vector<1000xf32> to vector<1000x1xf32>
    %div3A_24 = arith.constant 1.280000e+02 : f32
    %div3A_25 = vector.broadcast %div3A_24 : f32 to vector<1000x1xf32>
    %div3A_26 = arith.divf %broadcast_in_dim3A_23, %div3A_25 : vector<1000x1xf32>
    %get3A_27 = arith.constant 0 : index
    %get3A_28 = arith.constant 0 : index
    %get3A_29 = vector.load %arg5[%get3A_27, %get3A_28] : memref<1x128xf32, #tpu.memory_space<vmem>>, vector<1x128xf32>
    %mul3A_30 = vector.broadcast %get3A_29 : vector<1x128xf32> to vector<1000x128xf32>
    %mul3A_31 = arith.mulf %mul3A_30, %sub3A_20 : vector<1000x128xf32>
    %add3A_32 = arith.constant 9.99999974E-6 : f32
    %add3A_33 = vector.broadcast %add3A_32 : f32 to vector<1000x1xf32>
    %add3A_34 = arith.addf %div3A_26, %add3A_33 : vector<1000x1xf32>
    %rsqrt3A = math.rsqrt %add3A_34 : vector<1000x1xf32>
    %mul3A_35 = vector.broadcast %rsqrt3A : vector<1000x1xf32> to vector<1000x128xf32>
    %mul3A_36 = arith.mulf %mul3A_31, %mul3A_35 : vector<1000x128xf32>
    %get3A_37 = arith.constant 0 : index
    %get3A_38 = arith.constant 0 : index
    %get3A_39 = vector.load %arg6[%get3A_37, %get3A_38] : memref<1x128xf32, #tpu.memory_space<vmem>>, vector<1x128xf32>
    %add3A_40 = vector.broadcast %get3A_39 : vector<1x128xf32> to vector<1000x128xf32>
    %add3A_41 = arith.addf %mul3A_36, %add3A_40 : vector<1000x128xf32>
    %swap3A = arith.constant 0 : index
    %swap3A_42 = arith.constant 0 : index
    %swap3A_43 = vector.load %arg7[%swap3A, %swap3A_42] : memref<1000x128xf32, #tpu.memory_space<vmem>>, vector<1000x128xf32>
    tpu.vector_store %arg7[%swap3A, %swap3A_42], %add3A_41 {strides = array<i32>} : memref<1000x128xf32, #tpu.memory_space<vmem>>, vector<1000x128xf32>,
    return
  }
  func.func @transform_0(%arg0: i32) -> (i32, i32) {
    %c0_i32 = arith.constant 0 : i32
    %c0_i32_0 = arith.constant 0 : i32
    return %arg0, %c0_i32 : i32, i32
  }
  func.func @transform_1(%arg0: i32) -> (i32, i32) {
    %c0_i32 = arith.constant 0 : i32
    %c0_i32_0 = arith.constant 0 : i32
    return %arg0, %c0_i32 : i32, i32
  }
  func.func @transform_2(%arg0: i32) -> (i32, i32) {
    %c0_i32 = arith.constant 0 : i32
    %c0_i32_0 = arith.constant 0 : i32
    return %arg0, %c0_i32 : i32, i32
  }
  func.func @transform_3(%arg0: i32) -> (i32, i32) {
    %c0_i32 = arith.constant 0 : i32
    %c0_i32_0 = arith.constant 0 : i32
    %c0_i32_1 = arith.constant 0 : i32
    return %c0_i32, %c0_i32_0 : i32, i32
  }
  func.func @transform_4(%arg0: i32) -> (i32, i32) {
    %c0_i32 = arith.constant 0 : i32
    %c0_i32_0 = arith.constant 0 : i32
    %c0_i32_1 = arith.constant 0 : i32
    return %c0_i32, %c0_i32_0 : i32, i32
  }
  func.func @transform_5(%arg0: i32) -> (i32, i32) {
    %c0_i32 = arith.constant 0 : i32
    %c0_i32_0 = arith.constant 0 : i32
    %c0_i32_1 = arith.constant 0 : i32
    return %c0_i32, %c0_i32_0 : i32, i32
  }
  func.func @transform_6(%arg0: i32) -> (i32, i32) {
    %c0_i32 = arith.constant 0 : i32
    %c0_i32_0 = arith.constant 0 : i32
    return %arg0, %c0_i32 : i32, i32
  }
}

</mosaic_0001>

<sc_bundles>
// kernel: kernel.11.cloned.1.call-start
scs
__scs_entry_jumppad:
0x0: {  	(pc) =	sbr.rel $0x88, $3  }
0x1: {  	(tag) =	ssettag $0x0;
	lr =	simm.s32 $0x1  }
0x2: {  	[smem:$0x3F97] =	sst lr;
	_ =	strace $0xD0000000  }
0x3: {  	_ = 	snop  }
0x4: {  	_ = 	snop  }
0x5: {  	_ = 	snop  }
0x6: {  	_ = 	snop  }
0x7: {  	_ = 	snop  }
__scs_overlays_trampoline_lowered:
0x8: {  	[smem:$0x3FA6] =	sst s0  }
0x9: {  	[smem:$0x3FA7] =	sst s1  }
0xa: {  	[smem:$0x3FA8] =	sst s2  }
0xb: {  	[smem:$0x3FA9] =	sst s3  }
0xc: {  	[smem:$0x3FAA] =	sst s4  }
0xd: {  	[smem:$0x3FAB] =	sst s5  }
0xe: {  	[smem:$0x3FAC] =	sst s6  }
0xf: {  	[smem:$0x3FAD] =	sst s7  }
0x10: {  	[smem:$0x3FAE] =	sst s8  }
0x11: {  	[smem:$0x3FAF] =	sst s9;
	s0 =	simm.s32 @!p0 $0x0  }
0x12: {  	s1 =	sld [smem:$0x3F95];
	s0 =	simm.s32 @p0 $0x1  }
0x13: {  	[smem:$0x3FB0] =	sst s0;
	s0 =	simm.s32 @!p1 $0x0  }
0x14: {  	s2 =	sld [smem:$0x3F94];
	s0 =	simm.s32 @p1 $0x1  }
0x15: {  	[smem:$0x3FB1] =	sst s0;
	s0 =	simm.s32 @!p2 $0x0  }
0x16: {  	s3 =	sld [smem:$0x3FDB];
	s0 =	simm.s32 @p2 $0x1  }
0x17: {  	s4 =	simm.s32 $0x1BF5;
	[smem:$0x3FB3] =	sst s0  }
0x18: {  	s0 =	sld [smem:$0x3F96];
	_ =	swait.ge [sflag:s4], $0x0  }
0x19: {  	s7 =	sld [smem:$0x3F97]  }
0x1a: {  	s8 =	sadd.s32 $0xFFFFE003, lr  }
0x1b: {  	s9 =	sadd.s32 $0xFFFFFEF7, lr;
	s5 =	simm.s32 $0xFFFFFFFF;
	p2 =	slt.u32 s8, $0xFFFFF086  }
0x1c: {  	p1 =	slt.u32 s9, $0xF7A;
	s5 =	simm.s32 @!p2 $0x0  }
0x1d: {  	s5 =	simm.s32 @p1 $0x1;
	p0 =	seq.s32 s7, s2  }
0x1e: {  	s7 =	smul.u32 @!p0 $0xF7A, s2;
	p2 =	seq.s32 @!p0 s5, $0x0  }
0x1f: {  	s9 =	smul.u32 $0xF7A, s1;
	s8 =	simm.s32 @!p0 $0x1BF5;
	p2 =	por !p2, p0  }
0x20: {  	[sflag:s8] =	ssyncset.s32 @!p0 $0xFFFFF086;
	s6 =	sadd.s32 @!p0 s3, s7;
	s7 =	simm.s32 @!p0 $0x108  }
0x21: {  	s3 =	sadd.s32 s3, s9;
	s6 =	sadd.s32 @!p0 $0x88, s6;
	s7 =	simm.s32 @p2 $0x1082  }
0x22: {  	[simem:s7], [sflag:s8] =	dma.local @!p0 [hbm:s6], $0xF7A  }
0x23: {  	s9 =	sor.u32 $0xD0000000, s2;
	s6 =	simm.s32 $0x108;
	_ =	swait.ge @!p0 [sflag:s8], $0x0  }
0x24: {  	s3 =	sadd.s32 $0x88, s3;
	s6 =	simm.s32 @!p1 $0x1082;
	[sflag:s4] =	ssyncset.s32 $0xFFFFF086  }
0x25: {  	[simem:s6], [sflag:s4] =	dma.local [hbm:s3], $0xF7A  }
0x26: {  	[smem:$0x3F97] =	sst s1;
	(tag) =	ssettag s2;
	_ =	strace s9  }
0x27: {  	s1 =	sld [smem:$0x3FA7]  }
0x28: {  	s2 =	sld [smem:$0x3FA8]  }
0x29: {  	s4 =	sld [smem:$0x3FAA]  }
0x2a: {  	p0 =	seq.s32 s5, $0x0;
	s5 =	sld [smem:$0x3FAB]  }
0x2b: {  	s6 =	sld [smem:$0x3FAC]  }
0x2c: {  	s7 =	sld [smem:$0x3FAD]  }
0x2d: {  	s3 =	simm.s32 $0x108;
	s8 =	sld [smem:$0x3FAE]  }
0x2e: {  	s3 =	simm.s32 @!p0 $0x1082;
	s9 =	sld [smem:$0x3FAF]  }
0x2f: {  	lr =	sadd.s32 s0, s3;
	s0 =	sld [smem:$0x3FA6]  }
0x30: {  	s3 =	sld [smem:$0x3FA9]  }
0x31: {  	[smem:$0x3FB2] =	sst s10  }
0x32: {  	s10 =	sld [smem:$0x3FB0];
	_ =	sdelay $0x3  }
0x33: {  	p0 =	seq.s32 s10, $0x1;
	s10 =	sld [smem:$0x3FB2];
	_ =	sdelay $0x3  }
0x34: {  	[smem:$0x3FB2] =	sst s10  }
0x35: {  	s10 =	sld [smem:$0x3FB1];
	_ =	sdelay $0x3  }
0x36: {  	p1 =	seq.s32 s10, $0x1;
	s10 =	sld [smem:$0x3FB2];
	_ =	sdelay $0x3  }
0x37: {  	[smem:$0x3FB2] =	sst s10  }
0x38: {  	s10 =	sld [smem:$0x3FB3]  }
0x39: {  	_ = 	snop;
	(pc) =	sbr.ind lr, $3  }
0x3a: {  	_ = 	snop  }
0x3b: {  	_ = 	snop  }
0x3c: {  	p2 =	seq.s32 s10, $0x1;
	s10 =	sld [smem:$0x3FB2]  }
0x3d: {  	_ =	shalt  }
0x3e: {  	_ =	shalt  }
0x3f: {  	_ =	shalt  }
0x40: {  	_ =	shalt  }
0x41: {  	_ =	shalt  }
0x42: {  	_ =	shalt  }
0x43: {  	_ =	shalt  }
0x44: {  	_ =	shalt  }
0x45: {  	_ =	shalt  }
0x46: {  	_ =	shalt  }
0x47: {  	_ =	shalt  }
0x48: {  	_ =	shalt  }
0x49: {  	_ =	shalt  }
0x4a: {  	_ =	shalt  }
0x4b: {  	_ =	shalt  }
0x4c: {  	_ =	shalt  }
0x4d: {  	_ =	shalt  }
0x4e: {  	_ =	shalt  }
0x4f: {  	_ =	shalt  }
0x50: {  	_ =	shalt  }
0x51: {  	_ =	shalt  }
0x52: {  	_ =	shalt  }
0x53: {  	_ =	shalt  }
0x54: {  	_ =	shalt  }
0x55: {  	_ =	shalt  }
0x56: {  	_ =	shalt  }
0x57: {  	_ =	shalt  }
0x58: {  	_ =	shalt  }
0x59: {  	_ =	shalt  }
0x5a: {  	_ =	shalt  }
0x5b: {  	_ =	shalt  }
0x5c: {  	_ =	shalt  }
0x5d: {  	_ =	shalt  }
0x5e: {  	_ =	shalt  }
0x5f: {  	_ =	shalt  }
0x60: {  	_ =	shalt  }
0x61: {  	_ =	shalt  }
0x62: {  	_ =	shalt  }
0x63: {  	_ =	shalt  }
0x64: {  	_ =	shalt  }
0x65: {  	_ =	shalt  }
0x66: {  	_ =	shalt  }
0x67: {  	_ =	shalt  }
0x68: {  	_ =	shalt  }
0x69: {  	_ =	shalt  }
0x6a: {  	_ =	shalt  }
0x6b: {  	_ =	shalt  }
0x6c: {  	_ =	shalt  }
0x6d: {  	_ =	shalt  }
0x6e: {  	_ =	shalt  }
0x6f: {  	_ =	shalt  }
0x70: {  	_ =	shalt  }
0x71: {  	_ =	shalt  }
0x72: {  	_ =	shalt  }
0x73: {  	_ =	shalt  }
0x74: {  	_ =	shalt  }
0x75: {  	_ =	shalt  }
0x76: {  	_ =	shalt  }
0x77: {  	_ =	shalt  }
0x78: {  	_ =	shalt  }
0x79: {  	_ =	shalt  }
0x7a: {  	_ =	shalt  }
0x7b: {  	_ =	shalt  }
0x7c: {  	_ =	shalt  }
0x7d: {  	_ =	shalt  }
0x7e: {  	_ =	shalt  }
0x7f: {  	_ =	shalt  }
0x80: {  	_ =	shalt  }
0x81: {  	_ =	shalt  }
0x82: {  	_ =	shalt  }
0x83: {  	_ =	shalt  }
0x84: {  	_ =	shalt  }
0x85: {  	_ =	shalt  }
0x86: {  	_ =	shalt  }
0x87: {  	_ =	shalt  }
.Lfunc_end0:
.L_simem_size_0:
called_computation.1_lowered:
.L_overlay_start_0:
0x88: {  	s2 =	sld [smem:$0x3FD9]  }
0x89: {  	s3 =	sld [smem:$0x3FFE];
	_ =	sdelay $0x1  }
0x8a: {  	s1 =	srdreg.scid  }
0x8b: {  	s0 =	sand.u32 $0x1, s1  }
0x8c: {  	s16 =	sshll.u32 s0, $0xA;
	s2 =	sadd.s32 s3, s2  }
0x8d: {  	s2 =	sadd.s32 s2, s16  }
0x8e: {  	[smem:$0x3FBE] =	sst s2  }
0x8f: {  	_ = 	snop  }
0x90: {  	(tm) =	ssettm $0x1  }
0x91: {  	s17 =	sld [smem:$0x3FFB];
	_ =	sdelay $0x3  }
0x92: {  	_ =	strace s17  }
0x93: {  	s2 =	sld [smem:$0x3FFC];
	_ =	sdelay $0x3  }
0x94: {  	_ =	strace s2  }
0x95: {  	s2 =	sld [smem:$0x3FFD];
	_ =	sdelay $0x3  }
0x96: {  	_ =	strace s2  }
0x97: {  	_ =	strace $0x8FFFFFFF  }
0x98: {  	s18 =	sld [smem:$0x3FDB];
	_ =	sdelay $0x1  }
0x99: {  	s19 =	simm.s32 $_scs_section_size  }
0x9a: {  	s4 =	simm.s32 $_size__tile_overlayer_lowered;
	s5 =	simm.s32 $_tile_overlayer_lowered  }
0x9b: {  	s22 =	simm.s32 $0x1BFF;
	s21 =	sshll.u32 s5, $0x1;
	s2 =	sadd.s32 s19, s18  }
0x9c: {  	s6 =	simm.s32 $0x0;
	s20 =	sshll.u32 s4, $0x1;
	s4 =	sadd.s32 s21, s2  }
0x9d: {  	[timem:s6], [sflag:s22] =	dma.local [hbm:s4], s20  }
0x9e: {  	_ =	swait.ge [sflag:s22], s20  }
0x9f: {  	s3 =	ssub.s32 $0x0, s20;
	[sflag:s22] =	ssyncset.done $0x0  }
0xa0: {  	[sflag:s22] =	ssyncadd.s32 s3;
	_ =	sdelay $0x1  }
0xa1: {  	s23 =	simm.s32 $0x1B8B  }
0xa2: {  	_ =	swait.ge [sflag:s23], $0x1  }
0xa3: {  	[sflag:s23] =	ssyncset.done $0x0  }
0xa4: {  	s25 =	simm.s32 $0x1B8E;
	s24 =	sld [smem:$0x3FFE];
	[sflag:s23] =	ssyncadd.s32 $0xFFFFFFFF  }
0xa5: {  	s26 =	simm.s32 $execute0_lowered;
	[smem:$0x3FD2] =	sst s25  }
0xa6: {  	s4 =	sshll.u32 s26, $0x1;
	_ =	strace $0x80000049;
	[dreg:$0x1] =	wrdreg $0xFFFFFFFF  }
0xa7: {  	s28 =	simm.s32 $_size_execute0_lowered;
	s2 =	sadd.s32 s2, s4;
	[dreg:$0x0] =	wrdreg $0x0  }
0xa8: {  	s4 =	sshll.u32 s28, $0x1;
	[dreg:$0x2] =	wrdreg s2  }
0xa9: {  	[dreg:$0x3] =	wrdreg s4  }
0xaa: {  	[dreg:$0x4] =	wrdreg $0xC0  }
0xab: {  	_ =	task [dreg:s6], $0x5FFFF  }
0xac: {  	[dreg:$0x1] =	wrdreg $0xFFFFFFFF  }
0xad: {  	[dreg:$0x0] =	wrdreg $0x60  }
0xae: {  	[dreg:$0x2] =	wrdreg s24  }
0xaf: {  	[dreg:$0x3] =	wrdreg $0x81000  }
0xb0: {  	[dreg:$0x4] =	wrdreg $0x9  }
0xb1: {  	_ =	task.clear_ibuf [dreg:s6], $0x5FFFF;
	_ =	strace $0x90000049  }
0xb2: {  	s29 =	simm.s32 $0x9;
	_ =	strace $0x8000004B  }
0xb3: {  	_ =	swait.ge [sflag:s29], $0x1  }
0xb4: {  	[sflag:s29] =	ssyncadd.s32 $0xFFFFFFFF  }
0xb5: {  	_ =	strace $0x9000004B  }
0xb6: {  	_ =	sfence  }
0xb7: {  	s30 =	sld [smem:$0x0];
	_ =	sdelay $0x2  }
0xb8: {  	s31 =	sshll.u32 s1, $0xD;
	s1 =	sshrl.u32 s1, $0x2  }
0xb9: {  	s3 =	sand.u32 $0x4000, s31;
	s1 =	sadd.s32 s1, s30  }
0xba: {  	s0 =	sor.u32 s3, s0;
	s1 =	sshll.u32 s1, $0x11  }
0xbb: {  	s0 =	sor.u32 s1, s0  }
0xbc: {  	s0 =	sadd.s32 $0x8F2B, s0  }
0xbd: {  	[sflag:s0] =	ssyncadd.remote.s32 $0x1  }
0xbe: {  	_ =	sfence.sel $0xFFFF  }
0xbf: {  	[dreg:$0x0] =	wrdreg $0xFFFFFFFF;
	(pc) =	sbr.abs _section_cstart, $3  }
0xc0: {  	[dreg:$0x1] =	wrdreg $0xFFFFFFFF  }
0xc1: {  	_ =	task.clear_ibuf [dreg:s6], $0x2FFFF;
	_ =	strace $0x9FFFFFFF  }
0xc2: {  	(tm) =	ssettm $0x7FFFFFFF  }
0xc3: {  	_ =	shalt  }
tec
execute0_lowered:
.L_overlay_start_1:
0x0: {  	(tag) =	ssettag $0x1  }
0x1: {  	s0 =	rddreg [dreg:$0x0]  }
0x2: {  	s2 =	rddreg [dreg:$0x1]  }
0x3: {  	s9 =	stileid.u32;
	s3 =	simm.s32 $0x0;
	s5 =	srdreg.scid  }
0x4: {  	s11 =	simm.s32 $0x3;
	s13 =	simm.s32 $0x1;
	s1 =	smul.u32 $0x51000, s9  }
0x5: {  	s12 =	simm.s32 $0x0;
	s4 =	sadd.s32 $0x532600, s0;
	s7 =	smul.u32 $0x50000, s9  }
0x6: {  	[smem:$0x7FF] =	sst s3;
	s6 =	sadd.s32 $0x53CE00, s0;
	s19 =	smul.u32 $0x280, s9  }
0x7: {  	s5 =	sand.u32 $0x1, s5;
	s31 =	smul.u32 $0x2800, s9;
	_ =	strace $0x8000004A  }
0x8: {  	[dreg:$0x3] =	wrdreg s6;
	s8 =	ssub.s32 $0x2, s5;
	s6 =	smul.u32 $0x5400, s9  }
0x9: {  	p0 =	sne.s32 s5, $0x0;
	s5 =	simm.s32 $0x5;
	s1 =	sadd.s32 s1, s0  }
0xa: {  	s0 =	sadd.s32 $0x564E00, s0;
	s14 =	sshrl.u32 s8, $0x1;
	s7 =	sshrl.u32 s7, $0x2  }
0xb: {  	s20 =	sadd.s32 $0x200, s19;
	s21 =	sadd.s32 $0x180, s19;
	s22 =	sadd.s32 $0x100, s19  }
0xc: {  	[dreg:$0x4] =	wrdreg s0;
	s0 =	ssub.s32 s8, s14;
	s10 =	sadd.s32 $0xF5CE00, s1  }
0xd: {  	s8 =	sadd.s32 s7, s2;
	s16 =	sadd.s32 $0xF5D600, s1;
	[dreg:$0x6] =	wrdreg s10  }
0xe: {  	s15 =	sshrl.u32 s6, $0x3;
	s17 =	sadd.s32 $0xA4CE00, s1;
	[dreg:$0x7] =	wrdreg s16  }
0xf: {  	s18 =	sadd.s32 $0xA4D600, s1;
	s28 =	sshll.u32 s21, $0x4;
	[dreg:$0x9] =	wrdreg s17  }
0x10: {  	s29 =	sshll.u32 s22, $0x4;
	s7 =	sadd.s32 s4, s15;
	[dreg:$0xa] =	wrdreg s18  }
0x11: {  	s14 =	simm.s32 $0x4;
	s0 =	smax.u32 s0, $0x1;
	[dreg:$0x5] =	wrdreg s7  }
0x12: {  	s23 =	sadd.s32 $0x4000, s8;
	s24 =	sadd.s32 $0x8000, s8;
	[dreg:$0xb] =	wrdreg s0  }
0x13: {  	s25 =	sadd.s32 $0xC000, s8;
	s26 =	sadd.s32 $0x10000, s8;
	[dreg:$0xc] =	wrdreg s23  }
.Ltmp0:
0x14: {  	s16 =	sadd.s32 $0xA4DE00, s1;
	[dreg:$0xd] =	wrdreg s24;
	(pc) =	sbr.rel .LBB2_1-.Ltmp0, $4  }
0x15: {  	s10 =	simm.s32 $0x4100;
	s7 =	sadd.s32 $0x10, s7;
	[dreg:$0xe] =	wrdreg s25  }
0x16: {  	[dreg:$0xf] =	wrdreg s26;
	s23 =	sadd.s32 $0x80, s19;
	s24 =	sadd.s32 $0xF5DE00, s1  }
0x17: {  	s26 =	sshll.u32 s20, $0x4;
	s0 =	simm.s32 $0x100;
	s1 =	simm.s32 $0x2  }
0x18: {  	v0 =	vimm.f32 $0.0e+00;
	[dreg:$0x8] =	wrdreg s7;
	s30 =	sshll.u32 s23, $0x4;
	s7 =	simm.s32 $0x80  }
.LBB2_9:
0x19: {  	[sflag:s13] =	ssyncadd.s32 $0xFFFFC000  }
0x1a: {  	[spmem:s2] =	stream.indirect.scatter.add.f32 [tilespmem:s0], [sflag:$0x5], $0x80, s3, s7, $0xb8;
	[tilespmem:$0x1C100] =	vst v63  }
0x1b: {  	_ =	swait.ge [sflag:s5], $0x4000  }
0x1c: {  	[sflag:s5] =	ssyncset.done $0x0  }
0x1d: {  	s9 =	sadd.s32 s4, s18;
	[sflag:s5] =	ssyncadd.s32 $0xFFFFC000  }
0x1e: {  	[tilespmem:s3], [sflag:$0x3] =	stream.linear.gather [hbm4b:s9+s3], $0x80, $0x38;
	[tilespmem:$0x1C100] =	vst v63  }
0x1f: {  	s19 =	sadd.s32 $0x1000, s25  }
0x20: {  	[tilespmem:s0], [sflag:$0x1] =	stream.linear.gather [hbm4b:s19+s3], $0x4000, $0x38;
	[tilespmem:$0x1C100] =	vst v63  }
0x21: {  	_ =	swait.ge [sflag:s14], $0x80  }
0x22: {  	[sflag:s14] =	ssyncset.done $0x0  }
0x23: {  	[sflag:s14] =	ssyncadd.s32 $0xFFFFFF80  }
0x24: {  	_ =	swait.ge [sflag:s1], $0x4000  }
0x25: {  	s17 =	sand.u32 $0xFC00, s15;
	[sflag:s1] =	ssyncset.done $0x0  }
0x26: {  	s25 =	sand.u32 $0x380, s15;
	s17 =	sadd.s32 s6, s17;
	[sflag:s1] =	ssyncadd.s32 $0xFFFFC000  }
0x27: {  	[spmem:s2] =	stream.indirect.scatter.add.f32 [tilespmem:s10], [sflag:$0x5], $0x80, s7, s7, $0xb8;
	[tilespmem:$0x1C100] =	vst v63  }
0x28: {  	s15 =	sor.u32 s25, s17;
	_ =	swait.ge [sflag:s5], $0x4000  }
0x29: {  	s15 =	sshrl.u32 s15, $0x3;
	[sflag:s5] =	ssyncset.done $0x0  }
0x2a: {  	s15 =	sadd.s32 s4, s15;
	[sflag:s5] =	ssyncadd.s32 $0xFFFFC000  }
0x2b: {  	[tilespmem:s7], [sflag:$0x4] =	stream.linear.gather [hbm4b:s15+s3], $0x80, $0x38;
	[tilespmem:$0x1C100] =	vst v63  }
0x2c: {  	s9 =	sadd.s32 $0x800, s19  }
0x2d: {  	[tilespmem:s10], [sflag:$0x2] =	stream.linear.gather [hbm4b:s9+s3], $0x4000, $0x38;
	[tilespmem:$0x1C100] =	vst v63  }
0x2e: {  	_ =	swait.ge [sflag:s11], $0x80  }
0x2f: {  	[sflag:s11] =	ssyncset.done $0x0  }
0x30: {  	[sflag:s11] =	ssyncadd.s32 $0xFFFFFF80  }
0x31: {  	_ =	swait.ge [sflag:s13], $0x4000  }
0x32: {  	[sflag:s13] =	ssyncset.done $0x0  }
0x33: {  	[sflag:s13] =	ssyncadd.s32 $0xFFFFC000  }
0x34: {  	[spmem:s2] =	stream.indirect.scatter.add.f32 [tilespmem:s0], [sflag:$0x5], $0x80, s3, s7, $0xb8;
	[tilespmem:$0x1C100] =	vst v63  }
0x35: {  	_ =	swait.ge [sflag:s5], $0x4000  }
0x36: {  	[sflag:s5] =	ssyncset.done $0x0  }
0x37: {  	s15 =	rddreg [dreg:$0x4];
	[sflag:s5] =	ssyncadd.s32 $0xFFFFC000  }
.LBB2_10:
0x38: {  	_ =	swait.ge [sflag:s14], $0x80  }
0x39: {  	[sflag:s14] =	ssyncset.done $0x0  }
0x3a: {  	[sflag:s14] =	ssyncadd.s32 $0xFFFFFF80  }
0x3b: {  	_ =	swait.ge [sflag:s1], $0x4000  }
0x3c: {  	[sflag:s1] =	ssyncset.done $0x0  }
0x3d: {  	[sflag:s1] =	ssyncadd.s32 $0xFFFFC000  }
0x3e: {  	[spmem:s2] =	stream.indirect.scatter.add.f32 [tilespmem:s10], [sflag:$0x5], $0x80, s7, s7, $0xb8;
	[tilespmem:$0x1C100] =	vst v63  }
0x3f: {  	_ =	swait.ge [sflag:s5], $0x4000  }
0x40: {  	s17 =	stileid.u32;
	[sflag:s5] =	ssyncset.done $0x0  }
0x41: {  	s9 =	sadd.s32 s15, s31;
	s17 =	sshll.u32 s17, $0x6;
	[sflag:s5] =	ssyncadd.s32 $0xFFFFC000  }
0x42: {  	s18 =	sshrl.u32 s8, $0x3;
	s17 =	sor.u32 $0x1C05, s17;
	[bflag:$0x0] =	sbarrier.arrive $0xFFFF  }
0x43: {  	[hbm:s9], [sflag:s17] =	dma.local [spmem:s18], $0x800  }
0x44: {  	s19 =	sshll.u32 s23, $0x7;
	_ =	swait.ge [sflag:s5], $0x800  }
0x45: {  	s9 =	sadd.s32 s19, s2;
	[sflag:s5] =	ssyncset.done $0x0  }
0x46: {  	s25 =	sadd.s32 s15, s30;
	s9 =	sshrl.u32 s9, $0x3;
	[sflag:s5] =	ssyncadd.s32 $0xFFFFF800  }
0x47: {  	[hbm:s25], [sflag:s17] =	dma.local [spmem:s9], $0x800  }
0x48: {  	s19 =	sshll.u32 s22, $0x7;
	_ =	swait.ge [sflag:s5], $0x800  }
0x49: {  	s9 =	sadd.s32 s19, s2;
	[sflag:s5] =	ssyncset.done $0x0  }
0x4a: {  	s25 =	sadd.s32 s15, s29;
	s9 =	sshrl.u32 s9, $0x3;
	[sflag:s5] =	ssyncadd.s32 $0xFFFFF800  }
0x4b: {  	[hbm:s25], [sflag:s17] =	dma.local [spmem:s9], $0x800  }
0x4c: {  	s19 =	sshll.u32 s21, $0x7;
	_ =	swait.ge [sflag:s5], $0x800  }
0x4d: {  	s9 =	sadd.s32 s19, s2;
	[sflag:s5] =	ssyncset.done $0x0  }
0x4e: {  	s25 =	sadd.s32 s15, s28;
	s9 =	sshrl.u32 s9, $0x3;
	[sflag:s5] =	ssyncadd.s32 $0xFFFFF800  }
0x4f: {  	[hbm:s25], [sflag:s17] =	dma.local [spmem:s9], $0x800  }
0x50: {  	s18 =	sshll.u32 s20, $0x7;
	_ =	swait.ge [sflag:s5], $0x800  }
0x51: {  	s9 =	sadd.s32 s18, s2;
	[sflag:s5] =	ssyncset.done $0x0  }
0x52: {  	s19 =	sadd.s32 s15, s26;
	s9 =	sshrl.u32 s9, $0x3;
	[sflag:s5] =	ssyncadd.s32 $0xFFFFF800  }
0x53: {  	[hbm:s19], [sflag:s17] =	dma.local [spmem:s9], $0x800  }
0x54: {  	_ =	swait.ge [sflag:s5], $0x800  }
0x55: {  	s12 =	sadd.s32 $0x1, s12;
	s25 =	rddreg [dreg:$0xb]  }
0x56: {  	p1 =	sne.s32 s12, s25  }
.Ltmp1:
0x57: {  	_ = 	snop;
	(pc) =	sbr.rel @!p1 .LBB2_11-.Ltmp1, $3  }
0x58: {  	_ =	sdelay $0x1  }
0x59: {  	[sflag:s5] =	ssyncset.done $0x0  }
0x5a: {  	[sflag:s5] =	ssyncadd.s32 $0xFFFFF800  }
.LBB2_1:
0x5b: {  	s15 =	simm.s32 $0x0;
	s17 =	simm.s32 $0x200  }
.LBB2_2:
0x5c: {  	p1 =	sne.s32 s17, $0xFE00;
	[tilespmem:s15+$0x170] =	vst v0  }
0x5d: {  	[tilespmem:s15+$0x100] =	vst v0  }
0x5e: {  	[tilespmem:s15+$0x110] =	vst v0  }
.Ltmp2:
0x5f: {  	[tilespmem:s15+$0x120] =	vst v0;
	(pc) =	sbr.rel @p1 .LBB2_2-.Ltmp2, $4  }
0x60: {  	[tilespmem:s15+$0x130] =	vst v0  }
0x61: {  	[tilespmem:s15+$0x140] =	vst v0  }
0x62: {  	[tilespmem:s15+$0x150] =	vst v0  }
0x63: {  	[tilespmem:s15+$0x160] =	vst v0;
	s15 =	sshra.s32 s17, $0x2;
	s17 =	sadd.s32 $0x200, s17  }
0x64: {  	[tilespmem:s15+$0x170] =	vst v0  }
0x65: {  	[tilespmem:s15+$0x100] =	vst v0  }
0x66: {  	[tilespmem:s15+$0x110] =	vst v0  }
0x67: {  	[tilespmem:s15+$0x120] =	vst v0  }
0x68: {  	[tilespmem:s15+$0x130] =	vst v0  }
0x69: {  	[tilespmem:s15+$0x140] =	vst v0  }
0x6a: {  	[tilespmem:s15+$0x150] =	vst v0  }
0x6b: {  	[tilespmem:s15+$0x160] =	vst v0  }
0x6c: {  	[spmem:s8] =	stream.linear.scatter [tilespmem:s0], [sflag:$0x5], $0x4000, $0x38;
	[tilespmem:$0x1C100] =	vst v63  }
0x6d: {  	_ =	swait.ge [sflag:s5], $0x4000  }
0x6e: {  	[sflag:s5] =	ssyncset.done $0x0  }
0x6f: {  	s9 =	rddreg [dreg:$0xc];
	[sflag:s5] =	ssyncadd.s32 $0xFFFFC000  }
0x70: {  	[spmem:s9] =	stream.linear.scatter [tilespmem:s0], [sflag:$0x5], $0x4000, $0x38;
	[tilespmem:$0x1C100] =	vst v63  }
0x71: {  	_ =	swait.ge [sflag:s5], $0x4000  }
0x72: {  	[sflag:s5] =	ssyncset.done $0x0  }
0x73: {  	s17 =	rddreg [dreg:$0xd];
	[sflag:s5] =	ssyncadd.s32 $0xFFFFC000  }
0x74: {  	[spmem:s17] =	stream.linear.scatter [tilespmem:s0], [sflag:$0x5], $0x4000, $0x38;
	[tilespmem:$0x1C100] =	vst v63  }
0x75: {  	_ =	swait.ge [sflag:s5], $0x4000  }
0x76: {  	[sflag:s5] =	ssyncset.done $0x0  }
0x77: {  	s18 =	rddreg [dreg:$0xe];
	[sflag:s5] =	ssyncadd.s32 $0xFFFFC000  }
0x78: {  	[spmem:s18] =	stream.linear.scatter [tilespmem:s0], [sflag:$0x5], $0x4000, $0x38;
	[tilespmem:$0x1C100] =	vst v63  }
0x79: {  	_ =	swait.ge [sflag:s5], $0x4000  }
0x7a: {  	[sflag:s5] =	ssyncset.done $0x0  }
0x7b: {  	s19 =	rddreg [dreg:$0xf];
	[sflag:s5] =	ssyncadd.s32 $0xFFFFC000  }
0x7c: {  	[spmem:s19] =	stream.linear.scatter [tilespmem:s0], [sflag:$0x5], $0x4000, $0x38;
	[tilespmem:$0x1C100] =	vst v63  }
0x7d: {  	_ =	swait.ge [sflag:s5], $0x4000  }
.Ltmp3:
0x7e: {  	[sflag:s5] =	ssyncset.done $0x0;
	(pc) =	sbr.rel @p0 .LBB2_7-.Ltmp3, $4  }
0x7f: {  	[sflag:s5] =	ssyncadd.s32 $0xFFFFC000  }
0x80: {  	[bflag:$0x0] =	sbarrier.arrive $0xFFFF  }
0x81: {  	s25 =	rddreg [dreg:$0x5]  }
0x82: {  	[tilespmem:s3], [sflag:$0x3] =	stream.linear.gather [hbm4b:s25+s3], $0x80, $0x38;
	[tilespmem:$0x1C100] =	vst v63  }
0x83: {  	s9 =	rddreg [dreg:$0x9]  }
0x84: {  	[tilespmem:s0], [sflag:$0x1] =	stream.linear.gather [hbm4b:s9+s3], $0x4000, $0x38;
	[tilespmem:$0x1C100] =	vst v63  }
0x85: {  	s18 =	rddreg [dreg:$0x8]  }
0x86: {  	[tilespmem:s7], [sflag:$0x4] =	stream.linear.gather [hbm4b:s18+s3], $0x80, $0x38;
	[tilespmem:$0x1C100] =	vst v63  }
0x87: {  	s19 =	rddreg [dreg:$0xa]  }
0x88: {  	[tilespmem:s10], [sflag:$0x2] =	stream.linear.gather [hbm4b:s19+s3], $0x4000, $0x38;
	[tilespmem:$0x1C100] =	vst v63  }
0x89: {  	_ =	swait.ge [sflag:s11], $0x80  }
0x8a: {  	[sflag:s11] =	ssyncset.done $0x0  }
0x8b: {  	[sflag:s11] =	ssyncadd.s32 $0xFFFFFF80  }
0x8c: {  	s15 =	simm.s32 $0x100;
	_ =	swait.ge [sflag:s13], $0x4000  }
0x8d: {  	s17 =	sand.u32 $0xFC00, s15;
	[sflag:s13] =	ssyncset.done $0x0  }
0x8e: {  	s15 =	sand.u32 $0x300, s15;
	s17 =	sadd.s32 s6, s17;
	[sflag:s13] =	ssyncadd.s32 $0xFFFFC000  }
0x8f: {  	[spmem:s2] =	stream.indirect.scatter.add.f32 [tilespmem:s0], [sflag:$0x5], $0x80, s3, s7, $0xb8;
	[tilespmem:$0x1C100] =	vst v63  }
0x90: {  	s15 =	sor.u32 s15, s17;
	_ =	swait.ge [sflag:s5], $0x4000  }
0x91: {  	s15 =	sshrl.u32 s15, $0x3;
	[sflag:s5] =	ssyncset.done $0x0  }
0x92: {  	s15 =	sadd.s32 s4, s15;
	[sflag:s5] =	ssyncadd.s32 $0xFFFFC000  }
0x93: {  	[tilespmem:s3], [sflag:$0x3] =	stream.linear.gather [hbm4b:s15+s3], $0x80, $0x38;
	[tilespmem:$0x1C100] =	vst v63  }
0x94: {  	_ = 	snop  }
0x95: {  	[tilespmem:s0], [sflag:$0x1] =	stream.linear.gather [hbm4b:s16+s3], $0x4000, $0x38;
	[tilespmem:$0x1C100] =	vst v63  }
0x96: {  	_ =	swait.ge [sflag:s14], $0x80  }
0x97: {  	[sflag:s14] =	ssyncset.done $0x0  }
0x98: {  	[sflag:s14] =	ssyncadd.s32 $0xFFFFFF80  }
0x99: {  	s25 =	simm.s32 $0x180;
	_ =	swait.ge [sflag:s1], $0x4000  }
0x9a: {  	s9 =	sand.u32 $0xFC00, s25;
	[sflag:s1] =	ssyncset.done $0x0  }
0x9b: {  	s17 =	sadd.s32 s6, s9;
	s15 =	sand.u32 $0x380, s25;
	[sflag:s1] =	ssyncadd.s32 $0xFFFFC000  }
0x9c: {  	[spmem:s2] =	stream.indirect.scatter.add.f32 [tilespmem:s10], [sflag:$0x5], $0x80, s7, s7, $0xb8;
	[tilespmem:$0x1C100] =	vst v63  }
0x9d: {  	s15 =	sor.u32 s15, s17;
	_ =	swait.ge [sflag:s5], $0x4000  }
0x9e: {  	s15 =	sshrl.u32 s15, $0x3;
	[sflag:s5] =	ssyncset.done $0x0  }
0x9f: {  	s15 =	sadd.s32 s4, s15;
	[sflag:s5] =	ssyncadd.s32 $0xFFFFC000  }
0xa0: {  	[tilespmem:s7], [sflag:$0x4] =	stream.linear.gather [hbm4b:s15+s3], $0x80, $0x38;
	[tilespmem:$0x1C100] =	vst v63  }
0xa1: {  	s18 =	sadd.s32 $0x800, s16;
	s19 =	simm.s32 $0x200  }
0xa2: {  	[tilespmem:s10], [sflag:$0x2] =	stream.linear.gather [hbm4b:s18+s3], $0x4000, $0x38;
	[tilespmem:$0x1C100] =	vst v63  }
0xa3: {  	s25 =	sand.u32 $0xFC00, s19;
	_ =	swait.ge [sflag:s11], $0x80  }
0xa4: {  	s17 =	sadd.s32 s6, s25;
	[sflag:s11] =	ssyncset.done $0x0  }
0xa5: {  	s25 =	smov.u32 s16;
	s18 =	sand.u32 $0x300, s19;
	[sflag:s11] =	ssyncadd.s32 $0xFFFFFF80  }
0xa6: {  	s15 =	simm.s32 $0x280;
	s18 =	sor.u32 s18, s17;
	_ =	swait.ge [sflag:s13], $0x4000  }
0xa7: {  	s17 =	simm.s32 $0x380;
	s18 =	sshrl.u32 s18, $0x3;
	[sflag:s13] =	ssyncset.done $0x0  }
.LBB2_5:
0xa8: {  	[sflag:s13] =	ssyncadd.s32 $0xFFFFC000  }
0xa9: {  	s25 =	sadd.s32 $0x1000, s25;
	s9 =	smov.u32 s17;
	s19 =	sadd.s32 $0x100, s17  }
0xaa: {  	[spmem:s2] =	stream.indirect.scatter.add.f32 [tilespmem:s0], [sflag:$0x5], $0x80, s3, s7, $0xb8;
	[tilespmem:$0x1C100] =	vst v63  }
0xab: {  	p1 =	seq.s32 s17, $0x5080;
	_ =	swait.ge [sflag:s5], $0x4000  }
0xac: {  	s17 =	sadd.s32 s4, s18;
	[sflag:s5] =	ssyncset.done $0x0  }
0xad: {  	[sflag:s5] =	ssyncadd.s32 $0xFFFFC000  }
0xae: {  	[tilespmem:s3], [sflag:$0x3] =	stream.linear.gather [hbm4b:s17+s3], $0x80, $0x38;
	[tilespmem:$0x1C100] =	vst v63  }
0xaf: {  	_ = 	snop  }
0xb0: {  	[tilespmem:s0], [sflag:$0x1] =	stream.linear.gather [hbm4b:s25+s3], $0x4000, $0x38;
	[tilespmem:$0x1C100] =	vst v63  }
0xb1: {  	_ =	swait.ge [sflag:s14], $0x80  }
0xb2: {  	[sflag:s14] =	ssyncset.done $0x0  }
0xb3: {  	[sflag:s14] =	ssyncadd.s32 $0xFFFFFF80  }
0xb4: {  	_ =	swait.ge [sflag:s1], $0x4000  }
0xb5: {  	s17 =	sand.u32 $0xFC00, s15;
	[sflag:s1] =	ssyncset.done $0x0  }
0xb6: {  	s15 =	sand.u32 $0x380, s15;
	s17 =	sadd.s32 s6, s17;
	[sflag:s1] =	ssyncadd.s32 $0xFFFFC000  }
0xb7: {  	[spmem:s2] =	stream.indirect.scatter.add.f32 [tilespmem:s10], [sflag:$0x5], $0x80, s7, s7, $0xb8;
	[tilespmem:$0x1C100] =	vst v63  }
0xb8: {  	s17 =	sor.u32 s15, s17;
	s15 =	smov.u32 s9;
	_ =	swait.ge [sflag:s5], $0x4000  }
0xb9: {  	s9 =	sshrl.u32 s17, $0x3;
	[sflag:s5] =	ssyncset.done $0x0  }
0xba: {  	s17 =	sadd.s32 $0x800, s25;
	s9 =	sadd.s32 s4, s9;
	[sflag:s5] =	ssyncadd.s32 $0xFFFFC000  }
0xbb: {  	[tilespmem:s7], [sflag:$0x4] =	stream.linear.gather [hbm4b:s9+s3], $0x80, $0x38;
	[tilespmem:$0x1C100] =	vst v63  }
0xbc: {  	_ = 	snop  }
0xbd: {  	[tilespmem:s10], [sflag:$0x2] =	stream.linear.gather [hbm4b:s17+s3], $0x4000, $0x38;
	[tilespmem:$0x1C100] =	vst v63  }
.Ltmp4:
0xbe: {  	s9 =	sadd.s32 $0xFFFFFF80, s15;
	_ =	swait.ge [sflag:s11], $0x80;
	(pc) =	sbr.rel @!p1 .LBB2_5-.Ltmp4, $4  }
0xbf: {  	s17 =	sand.u32 $0xFC00, s9;
	[sflag:s11] =	ssyncset.done $0x0  }
0xc0: {  	s9 =	sand.u32 $0x300, s9;
	s17 =	sadd.s32 s6, s17;
	[sflag:s11] =	ssyncadd.s32 $0xFFFFFF80  }
0xc1: {  	s9 =	sor.u32 s9, s17;
	_ =	swait.ge [sflag:s13], $0x4000  }
0xc2: {  	s17 =	smov.u32 s19;
	s18 =	sshrl.u32 s9, $0x3;
	[sflag:s13] =	ssyncset.done $0x0  }
0xc3: {  	[sflag:s13] =	ssyncadd.s32 $0xFFFFC000  }
0xc4: {  	[spmem:s2] =	stream.indirect.scatter.add.f32 [tilespmem:s0], [sflag:$0x5], $0x80, s3, s7, $0xb8;
	[tilespmem:$0x1C100] =	vst v63  }
0xc5: {  	_ =	swait.ge [sflag:s5], $0x4000  }
0xc6: {  	[sflag:s5] =	ssyncset.done $0x0  }
0xc7: {  	s9 =	sadd.s32 s4, s18;
	[sflag:s5] =	ssyncadd.s32 $0xFFFFC000  }
0xc8: {  	[tilespmem:s3], [sflag:$0x3] =	stream.linear.gather [hbm4b:s9+s3], $0x80, $0x38;
	[tilespmem:$0x1C100] =	vst v63  }
0xc9: {  	s19 =	sadd.s32 $0x1000, s25  }
0xca: {  	[tilespmem:s0], [sflag:$0x1] =	stream.linear.gather [hbm4b:s19+s3], $0x4000, $0x38;
	[tilespmem:$0x1C100] =	vst v63  }
0xcb: {  	_ =	swait.ge [sflag:s14], $0x80  }
0xcc: {  	[sflag:s14] =	ssyncset.done $0x0  }
0xcd: {  	[sflag:s14] =	ssyncadd.s32 $0xFFFFFF80  }
0xce: {  	_ =	swait.ge [sflag:s1], $0x4000  }
0xcf: {  	s17 =	sand.u32 $0xFC00, s15;
	[sflag:s1] =	ssyncset.done $0x0  }
0xd0: {  	s25 =	sand.u32 $0x380, s15;
	s17 =	sadd.s32 s6, s17;
	[sflag:s1] =	ssyncadd.s32 $0xFFFFC000  }
0xd1: {  	[spmem:s2] =	stream.indirect.scatter.add.f32 [tilespmem:s10], [sflag:$0x5], $0x80, s7, s7, $0xb8;
	[tilespmem:$0x1C100] =	vst v63  }
0xd2: {  	s15 =	sor.u32 s25, s17;
	_ =	swait.ge [sflag:s5], $0x4000  }
0xd3: {  	s15 =	sshrl.u32 s15, $0x3;
	[sflag:s5] =	ssyncset.done $0x0  }
0xd4: {  	s15 =	sadd.s32 s4, s15;
	[sflag:s5] =	ssyncadd.s32 $0xFFFFC000  }
0xd5: {  	[tilespmem:s7], [sflag:$0x4] =	stream.linear.gather [hbm4b:s15+s3], $0x80, $0x38;
	[tilespmem:$0x1C100] =	vst v63  }
0xd6: {  	s9 =	sadd.s32 $0x800, s19  }
0xd7: {  	[tilespmem:s10], [sflag:$0x2] =	stream.linear.gather [hbm4b:s9+s3], $0x4000, $0x38;
	[tilespmem:$0x1C100] =	vst v63  }
0xd8: {  	_ =	swait.ge [sflag:s11], $0x80  }
0xd9: {  	[sflag:s11] =	ssyncset.done $0x0  }
0xda: {  	[sflag:s11] =	ssyncadd.s32 $0xFFFFFF80  }
0xdb: {  	_ =	swait.ge [sflag:s13], $0x4000  }
0xdc: {  	[sflag:s13] =	ssyncset.done $0x0  }
.Ltmp5:
0xdd: {  	[sflag:s13] =	ssyncadd.s32 $0xFFFFC000;
	(pc) =	sbr.rel .LBB2_10-.Ltmp5, $4  }
0xde: {  	[spmem:s2] =	stream.indirect.scatter.add.f32 [tilespmem:s0], [sflag:$0x5], $0x80, s3, s7, $0xb8;
	[tilespmem:$0x1C100] =	vst v63  }
0xdf: {  	_ =	swait.ge [sflag:s5], $0x4000  }
0xe0: {  	[sflag:s5] =	ssyncset.done $0x0  }
0xe1: {  	s15 =	rddreg [dreg:$0x3];
	[sflag:s5] =	ssyncadd.s32 $0xFFFFC000  }
.LBB2_7:
0xe2: {  	s9 =	rddreg [dreg:$0x6]  }
0xe3: {  	[tilespmem:s0], [sflag:$0x1] =	stream.linear.gather [hbm4b:s9+s3], $0x4000, $0x38;
	[tilespmem:$0x1C100] =	vst v63  }
0xe4: {  	s17 =	rddreg [dreg:$0x8]  }
0xe5: {  	[tilespmem:s7], [sflag:$0x4] =	stream.linear.gather [hbm4b:s17+s3], $0x80, $0x38;
	[tilespmem:$0x1C100] =	vst v63  }
0xe6: {  	s18 =	rddreg [dreg:$0x7]  }
0xe7: {  	[tilespmem:s10], [sflag:$0x2] =	stream.linear.gather [hbm4b:s18+s3], $0x4000, $0x38;
	[tilespmem:$0x1C100] =	vst v63  }
0xe8: {  	_ =	swait.ge [sflag:s11], $0x80  }
0xe9: {  	[sflag:s11] =	ssyncset.done $0x0  }
0xea: {  	[sflag:s11] =	ssyncadd.s32 $0xFFFFFF80  }
0xeb: {  	s19 =	simm.s32 $0x100;
	_ =	swait.ge [sflag:s13], $0x4000  }
0xec: {  	s15 =	sand.u32 $0xFC00, s19;
	[sflag:s13] =	ssyncset.done $0x0  }
0xed: {  	s9 =	sand.u32 $0x300, s19;
	s15 =	sadd.s32 s6, s15;
	[sflag:s13] =	ssyncadd.s32 $0xFFFFC000  }
0xee: {  	[spmem:s2] =	stream.indirect.scatter.add.f32 [tilespmem:s0], [sflag:$0x5], $0x80, s3, s7, $0xb8;
	[tilespmem:$0x1C100] =	vst v63  }
0xef: {  	s9 =	sor.u32 s9, s15;
	_ =	swait.ge [sflag:s5], $0x4000  }
0xf0: {  	s9 =	sshrl.u32 s9, $0x3;
	[sflag:s5] =	ssyncset.done $0x0  }
0xf1: {  	s9 =	sadd.s32 s4, s9;
	[sflag:s5] =	ssyncadd.s32 $0xFFFFC000  }
0xf2: {  	[tilespmem:s3], [sflag:$0x3] =	stream.linear.gather [hbm4b:s9+s3], $0x80, $0x38;
	[tilespmem:$0x1C100] =	vst v63  }
0xf3: {  	_ = 	snop  }
0xf4: {  	[tilespmem:s0], [sflag:$0x1] =	stream.linear.gather [hbm4b:s24+s3], $0x4000, $0x38;
	[tilespmem:$0x1C100] =	vst v63  }
0xf5: {  	_ =	swait.ge [sflag:s14], $0x80  }
0xf6: {  	[sflag:s14] =	ssyncset.done $0x0  }
0xf7: {  	[sflag:s14] =	ssyncadd.s32 $0xFFFFFF80  }
0xf8: {  	s25 =	simm.s32 $0x180;
	_ =	swait.ge [sflag:s1], $0x4000  }
0xf9: {  	s17 =	sand.u32 $0xFC00, s25;
	[sflag:s1] =	ssyncset.done $0x0  }
0xfa: {  	s15 =	sadd.s32 s6, s17;
	s9 =	sand.u32 $0x380, s25;
	[sflag:s1] =	ssyncadd.s32 $0xFFFFC000  }
0xfb: {  	[spmem:s2] =	stream.indirect.scatter.add.f32 [tilespmem:s10], [sflag:$0x5], $0x80, s7, s7, $0xb8;
	[tilespmem:$0x1C100] =	vst v63  }
0xfc: {  	s9 =	sor.u32 s9, s15;
	_ =	swait.ge [sflag:s5], $0x4000  }
0xfd: {  	s9 =	sshrl.u32 s9, $0x3;
	[sflag:s5] =	ssyncset.done $0x0  }
0xfe: {  	s9 =	sadd.s32 s4, s9;
	[sflag:s5] =	ssyncadd.s32 $0xFFFFC000  }
0xff: {  	[tilespmem:s7], [sflag:$0x4] =	stream.linear.gather [hbm4b:s9+s3], $0x80, $0x38;
	[tilespmem:$0x1C100] =	vst v63  }
0x100: {  	s19 =	simm.s32 $0x200;
	s18 =	sadd.s32 $0x800, s24  }
0x101: {  	[tilespmem:s10], [sflag:$0x2] =	stream.linear.gather [hbm4b:s18+s3], $0x4000, $0x38;
	[tilespmem:$0x1C100] =	vst v63  }
0x102: {  	s25 =	sand.u32 $0xFC00, s19;
	_ =	swait.ge [sflag:s11], $0x80  }
0x103: {  	s17 =	sadd.s32 s6, s25;
	[sflag:s11] =	ssyncset.done $0x0  }
0x104: {  	s15 =	simm.s32 $0x280;
	s9 =	sand.u32 $0x300, s19;
	[sflag:s11] =	ssyncadd.s32 $0xFFFFFF80  }
0x105: {  	s25 =	smov.u32 s24;
	s9 =	sor.u32 s9, s17;
	_ =	swait.ge [sflag:s13], $0x4000  }
0x106: {  	s19 =	simm.s32 $0x380;
	s18 =	sshrl.u32 s9, $0x3;
	[sflag:s13] =	ssyncset.done $0x0  }
.LBB2_8:
0x107: {  	[sflag:s13] =	ssyncadd.s32 $0xFFFFC000  }
0x108: {  	s25 =	sadd.s32 $0x1000, s25;
	s9 =	smov.u32 s19;
	s17 =	sadd.s32 $0x100, s19  }
0x109: {  	[spmem:s2] =	stream.indirect.scatter.add.f32 [tilespmem:s0], [sflag:$0x5], $0x80, s3, s7, $0xb8;
	[tilespmem:$0x1C100] =	vst v63  }
0x10a: {  	p1 =	sne.s32 s19, $0x5080;
	_ =	swait.ge [sflag:s5], $0x4000  }
0x10b: {  	s18 =	sadd.s32 s4, s18;
	[sflag:s5] =	ssyncset.done $0x0  }
0x10c: {  	[sflag:s5] =	ssyncadd.s32 $0xFFFFC000  }
0x10d: {  	[tilespmem:s3], [sflag:$0x3] =	stream.linear.gather [hbm4b:s18+s3], $0x80, $0x38;
	[tilespmem:$0x1C100] =	vst v63  }
0x10e: {  	_ = 	snop  }
0x10f: {  	[tilespmem:s0], [sflag:$0x1] =	stream.linear.gather [hbm4b:s25+s3], $0x4000, $0x38;
	[tilespmem:$0x1C100] =	vst v63  }
0x110: {  	_ =	swait.ge [sflag:s14], $0x80  }
0x111: {  	[sflag:s14] =	ssyncset.done $0x0  }
0x112: {  	[sflag:s14] =	ssyncadd.s32 $0xFFFFFF80  }
0x113: {  	_ =	swait.ge [sflag:s1], $0x4000  }
0x114: {  	s18 =	sand.u32 $0xFC00, s15;
	[sflag:s1] =	ssyncset.done $0x0  }
0x115: {  	s15 =	sand.u32 $0x380, s15;
	s18 =	sadd.s32 s6, s18;
	[sflag:s1] =	ssyncadd.s32 $0xFFFFC000  }
0x116: {  	[spmem:s2] =	stream.indirect.scatter.add.f32 [tilespmem:s10], [sflag:$0x5], $0x80, s7, s7, $0xb8;
	[tilespmem:$0x1C100] =	vst v63  }
0x117: {  	s18 =	sor.u32 s15, s18;
	s15 =	smov.u32 s9;
	_ =	swait.ge [sflag:s5], $0x4000  }
0x118: {  	s9 =	sshrl.u32 s18, $0x3;
	[sflag:s5] =	ssyncset.done $0x0  }
0x119: {  	s18 =	sadd.s32 $0x800, s25;
	s9 =	sadd.s32 s4, s9;
	[sflag:s5] =	ssyncadd.s32 $0xFFFFC000  }
0x11a: {  	[tilespmem:s7], [sflag:$0x4] =	stream.linear.gather [hbm4b:s9+s3], $0x80, $0x38;
	[tilespmem:$0x1C100] =	vst v63  }
0x11b: {  	_ = 	snop  }
0x11c: {  	[tilespmem:s10], [sflag:$0x2] =	stream.linear.gather [hbm4b:s18+s3], $0x4000, $0x38;
	[tilespmem:$0x1C100] =	vst v63  }
.Ltmp6:
0x11d: {  	s9 =	sadd.s32 $0xFFFFFF80, s15;
	_ =	swait.ge [sflag:s11], $0x80;
	(pc) =	sbr.rel @p1 .LBB2_8-.Ltmp6, $4  }
0x11e: {  	s18 =	sand.u32 $0xFC00, s9;
	[sflag:s11] =	ssyncset.done $0x0  }
0x11f: {  	s9 =	sand.u32 $0x300, s9;
	s18 =	sadd.s32 s6, s18;
	[sflag:s11] =	ssyncadd.s32 $0xFFFFFF80  }
0x120: {  	s9 =	sor.u32 s9, s18;
	_ =	swait.ge [sflag:s13], $0x4000  }
0x121: {  	s19 =	smov.u32 s17;
	s18 =	sshrl.u32 s9, $0x3;
	[sflag:s13] =	ssyncset.done $0x0  }
.Ltmp7:
0x122: {  	_ = 	snop;
	(pc) =	sbr.rel .LBB2_9-.Ltmp7, $1  }
0x123: {  	_ =	sdelay $0x3  }
.LBB2_11:
0x124: {  	_ =	sfence.sel $0x180000  }
0x125: {  	[bflag:$0x0] =	sbarrier.arrive $0xFFFF  }
0x126: {  	_ =	strace $0x9000004A  }
0x127: {  	s0 =	stileid.u32;
	[bflag:$0x2] =	sbarrier.arrive $0xFFFF  }
0x128: {  	p0 =	sne.s32 s0, $0x0;
	s0 =	rddreg [dreg:$0x2]  }
0x129: {  	s0 =	sadd.s32 @!p0 $0x100000, s0  }
0x12a: {  	[sflag:s0] =	ssyncadd.tile.s32 @!p0 $0x1;
	_ =	shalt  }
.Lfunc_end2:
_tile_overlayer_lowered:
.L_overlay_start_2:
0x12b: {  	(tag) =	ssettag $0x2  }
0x12c: {  	s0 =	rddreg [dreg:$0x0];
	s2 =	stileid.u32  }
0x12d: {  	s1 =	rddreg [dreg:$0x1];
	p0 =	sne.s32 s2, $0x0  }
0x12e: {  	s3 =	rddreg [dreg:$0x2];
	[bflag:$0x3] =	sbarrier.arrive $0xFFFF;
	s2 =	simm.s32 @!p0 $0x1C05  }
0x12f: {  	[timem:s3], [sflag:s2] =	dma.local @!p0 [hbm:s0], s1  }
0x130: {  	s0 =	simm.s32 @!p0 $0x5  }
0x131: {  	_ =	swait.ge @!p0 [sflag:s0], s1  }
0x132: {  	s1 =	ssub.s32 @!p0 $0x0, s1;
	[sflag:s0] =	ssyncset.done @!p0 $0x0  }
0x133: {  	[sflag:s0] =	ssyncadd.s32 @!p0 s1  }
0x134: {  	[bflag:$0x3] =	sbarrier.arrive $0xFFFF  }
0x135: {  	_ =	shalt  }

// kernel: kernel.8.cloned.1.call-start
scs
__scs_entry_jumppad:
0x0: {  	(pc) =	sbr.rel $0x88, $3  }
0x1: {  	(tag) =	ssettag $0x0;
	lr =	simm.s32 $0x1  }
0x2: {  	[smem:$0x3F97] =	sst lr;
	_ =	strace $0xD0000000  }
0x3: {  	_ = 	snop  }
0x4: {  	_ = 	snop  }
0x5: {  	_ = 	snop  }
0x6: {  	_ = 	snop  }
0x7: {  	_ = 	snop  }
__scs_overlays_trampoline_lowered:
0x8: {  	[smem:$0x3FA6] =	sst s0  }
0x9: {  	[smem:$0x3FA7] =	sst s1  }
0xa: {  	[smem:$0x3FA8] =	sst s2  }
0xb: {  	[smem:$0x3FA9] =	sst s3  }
0xc: {  	[smem:$0x3FAA] =	sst s4  }
0xd: {  	[smem:$0x3FAB] =	sst s5  }
0xe: {  	[smem:$0x3FAC] =	sst s6  }
0xf: {  	[smem:$0x3FAD] =	sst s7  }
0x10: {  	[smem:$0x3FAE] =	sst s8  }
0x11: {  	[smem:$0x3FAF] =	sst s9;
	s0 =	simm.s32 @!p0 $0x0  }
0x12: {  	s1 =	sld [smem:$0x3F95];
	s0 =	simm.s32 @p0 $0x1  }
0x13: {  	[smem:$0x3FB0] =	sst s0;
	s0 =	simm.s32 @!p1 $0x0  }
0x14: {  	s2 =	sld [smem:$0x3F94];
	s0 =	simm.s32 @p1 $0x1  }
0x15: {  	[smem:$0x3FB1] =	sst s0;
	s0 =	simm.s32 @!p2 $0x0  }
0x16: {  	s3 =	sld [smem:$0x3FDB];
	s0 =	simm.s32 @p2 $0x1  }
0x17: {  	s4 =	simm.s32 $0x1BF5;
	[smem:$0x3FB3] =	sst s0  }
0x18: {  	s0 =	sld [smem:$0x3F96];
	_ =	swait.ge [sflag:s4], $0x0  }
0x19: {  	s7 =	sld [smem:$0x3F97]  }
0x1a: {  	s8 =	sadd.s32 $0xFFFFE003, lr  }
0x1b: {  	s9 =	sadd.s32 $0xFFFFFEF7, lr;
	s5 =	simm.s32 $0xFFFFFFFF;
	p2 =	slt.u32 s8, $0xFFFFF086  }
0x1c: {  	p1 =	slt.u32 s9, $0xF7A;
	s5 =	simm.s32 @!p2 $0x0  }
0x1d: {  	s5 =	simm.s32 @p1 $0x1;
	p0 =	seq.s32 s7, s2  }
0x1e: {  	s7 =	smul.u32 @!p0 $0xF7A, s2;
	p2 =	seq.s32 @!p0 s5, $0x0  }
0x1f: {  	s9 =	smul.u32 $0xF7A, s1;
	s8 =	simm.s32 @!p0 $0x1BF5;
	p2 =	por !p2, p0  }
0x20: {  	[sflag:s8] =	ssyncset.s32 @!p0 $0xFFFFF086;
	s6 =	sadd.s32 @!p0 s3, s7;
	s7 =	simm.s32 @!p0 $0x108  }
0x21: {  	s3 =	sadd.s32 s3, s9;
	s6 =	sadd.s32 @!p0 $0x88, s6;
	s7 =	simm.s32 @p2 $0x1082  }
0x22: {  	[simem:s7], [sflag:s8] =	dma.local @!p0 [hbm:s6], $0xF7A  }
0x23: {  	s9 =	sor.u32 $0xD0000000, s2;
	s6 =	simm.s32 $0x108;
	_ =	swait.ge @!p0 [sflag:s8], $0x0  }
0x24: {  	s3 =	sadd.s32 $0x88, s3;
	s6 =	simm.s32 @!p1 $0x1082;
	[sflag:s4] =	ssyncset.s32 $0xFFFFF086  }
0x25: {  	[simem:s6], [sflag:s4] =	dma.local [hbm:s3], $0xF7A  }
0x26: {  	[smem:$0x3F97] =	sst s1;
	(tag) =	ssettag s2;
	_ =	strace s9  }
0x27: {  	s1 =	sld [smem:$0x3FA7]  }
0x28: {  	s2 =	sld [smem:$0x3FA8]  }
0x29: {  	s4 =	sld [smem:$0x3FAA]  }
0x2a: {  	p0 =	seq.s32 s5, $0x0;
	s5 =	sld [smem:$0x3FAB]  }
0x2b: {  	s6 =	sld [smem:$0x3FAC]  }
0x2c: {  	s7 =	sld [smem:$0x3FAD]  }
0x2d: {  	s3 =	simm.s32 $0x108;
	s8 =	sld [smem:$0x3FAE]  }
0x2e: {  	s3 =	simm.s32 @!p0 $0x1082;
	s9 =	sld [smem:$0x3FAF]  }
0x2f: {  	lr =	sadd.s32 s0, s3;
	s0 =	sld [smem:$0x3FA6]  }
0x30: {  	s3 =	sld [smem:$0x3FA9]  }
0x31: {  	[smem:$0x3FB2] =	sst s10  }
0x32: {  	s10 =	sld [smem:$0x3FB0];
	_ =	sdelay $0x3  }
0x33: {  	p0 =	seq.s32 s10, $0x1;
	s10 =	sld [smem:$0x3FB2];
	_ =	sdelay $0x3  }
0x34: {  	[smem:$0x3FB2] =	sst s10  }
0x35: {  	s10 =	sld [smem:$0x3FB1];
	_ =	sdelay $0x3  }
0x36: {  	p1 =	seq.s32 s10, $0x1;
	s10 =	sld [smem:$0x3FB2];
	_ =	sdelay $0x3  }
0x37: {  	[smem:$0x3FB2] =	sst s10  }
0x38: {  	s10 =	sld [smem:$0x3FB3]  }
0x39: {  	_ = 	snop;
	(pc) =	sbr.ind lr, $3  }
0x3a: {  	_ = 	snop  }
0x3b: {  	_ = 	snop  }
0x3c: {  	p2 =	seq.s32 s10, $0x1;
	s10 =	sld [smem:$0x3FB2]  }
0x3d: {  	_ =	shalt  }
0x3e: {  	_ =	shalt  }
0x3f: {  	_ =	shalt  }
0x40: {  	_ =	shalt  }
0x41: {  	_ =	shalt  }
0x42: {  	_ =	shalt  }
0x43: {  	_ =	shalt  }
0x44: {  	_ =	shalt  }
0x45: {  	_ =	shalt  }
0x46: {  	_ =	shalt  }
0x47: {  	_ =	shalt  }
0x48: {  	_ =	shalt  }
0x49: {  	_ =	shalt  }
0x4a: {  	_ =	shalt  }
0x4b: {  	_ =	shalt  }
0x4c: {  	_ =	shalt  }
0x4d: {  	_ =	shalt  }
0x4e: {  	_ =	shalt  }
0x4f: {  	_ =	shalt  }
0x50: {  	_ =	shalt  }
0x51: {  	_ =	shalt  }
0x52: {  	_ =	shalt  }
0x53: {  	_ =	shalt  }
0x54: {  	_ =	shalt  }
0x55: {  	_ =	shalt  }
0x56: {  	_ =	shalt  }
0x57: {  	_ =	shalt  }
0x58: {  	_ =	shalt  }
0x59: {  	_ =	shalt  }
0x5a: {  	_ =	shalt  }
0x5b: {  	_ =	shalt  }
0x5c: {  	_ =	shalt  }
0x5d: {  	_ =	shalt  }
0x5e: {  	_ =	shalt  }
0x5f: {  	_ =	shalt  }
0x60: {  	_ =	shalt  }
0x61: {  	_ =	shalt  }
0x62: {  	_ =	shalt  }
0x63: {  	_ =	shalt  }
0x64: {  	_ =	shalt  }
0x65: {  	_ =	shalt  }
0x66: {  	_ =	shalt  }
0x67: {  	_ =	shalt  }
0x68: {  	_ =	shalt  }
0x69: {  	_ =	shalt  }
0x6a: {  	_ =	shalt  }
0x6b: {  	_ =	shalt  }
0x6c: {  	_ =	shalt  }
0x6d: {  	_ =	shalt  }
0x6e: {  	_ =	shalt  }
0x6f: {  	_ =	shalt  }
0x70: {  	_ =	shalt  }
0x71: {  	_ =	shalt  }
0x72: {  	_ =	shalt  }
0x73: {  	_ =	shalt  }
0x74: {  	_ =	shalt  }
0x75: {  	_ =	shalt  }
0x76: {  	_ =	shalt  }
0x77: {  	_ =	shalt  }
0x78: {  	_ =	shalt  }
0x79: {  	_ =	shalt  }
0x7a: {  	_ =	shalt  }
0x7b: {  	_ =	shalt  }
0x7c: {  	_ =	shalt  }
0x7d: {  	_ =	shalt  }
0x7e: {  	_ =	shalt  }
0x7f: {  	_ =	shalt  }
0x80: {  	_ =	shalt  }
0x81: {  	_ =	shalt  }
0x82: {  	_ =	shalt  }
0x83: {  	_ =	shalt  }
0x84: {  	_ =	shalt  }
0x85: {  	_ =	shalt  }
0x86: {  	_ =	shalt  }
0x87: {  	_ =	shalt  }
.Lfunc_end0:
.L_simem_size_0:
called_computation_lowered:
.L_overlay_start_0:
0x88: {  	s2 =	sld [smem:$0x3FD9]  }
0x89: {  	s3 =	sld [smem:$0x3FFE];
	_ =	sdelay $0x1  }
0x8a: {  	s1 =	srdreg.scid  }
0x8b: {  	s0 =	sand.u32 $0x1, s1  }
0x8c: {  	s17 =	sshll.u32 s0, $0xA;
	s2 =	sadd.s32 s3, s2  }
0x8d: {  	s2 =	sadd.s32 s2, s17  }
0x8e: {  	[smem:$0x3FBE] =	sst s2  }
0x8f: {  	_ = 	snop  }
0x90: {  	s2 =	sld [smem:$0x3FD0];
	(tm) =	ssettm $0x1  }
0x91: {  	s18 =	sld [smem:$0x3FFB];
	_ =	sdelay $0x3  }
0x92: {  	_ =	strace s18  }
0x93: {  	s3 =	sld [smem:$0x3FFC];
	_ =	sdelay $0x3  }
0x94: {  	_ =	strace s3  }
0x95: {  	s3 =	sld [smem:$0x3FFD];
	_ =	sdelay $0x3  }
0x96: {  	_ =	strace s3  }
0x97: {  	_ =	strace $0x8FFFFFFF  }
0x98: {  	s19 =	sld [smem:$0x3FDB];
	_ =	sdelay $0x1  }
0x99: {  	s4 =	simm.s32 $_scs_section_size  }
0x9a: {  	s5 =	simm.s32 $_size__tile_overlayer_lowered;
	s6 =	simm.s32 $_tile_overlayer_lowered  }
0x9b: {  	s22 =	simm.s32 $0x1BFF;
	s21 =	sshll.u32 s6, $0x1;
	s3 =	sadd.s32 s4, s19  }
0x9c: {  	s7 =	simm.s32 $0x0;
	s20 =	sshll.u32 s5, $0x1;
	s5 =	sadd.s32 s21, s3  }
0x9d: {  	[timem:s7], [sflag:s22] =	dma.local [hbm:s5], s20  }
0x9e: {  	_ =	swait.ge [sflag:s22], s20  }
0x9f: {  	s4 =	ssub.s32 $0x0, s20;
	[sflag:s22] =	ssyncset.done $0x0  }
0xa0: {  	[sflag:s22] =	ssyncadd.s32 s4;
	_ =	sdelay $0x1  }
0xa1: {  	s23 =	simm.s32 $0x1B8B  }
0xa2: {  	_ =	swait.ge [sflag:s23], $0x1  }
0xa3: {  	[sflag:s23] =	ssyncset.done $0x0  }
0xa4: {  	s25 =	simm.s32 $0x1B8E;
	s24 =	sld [smem:$0x3FFE];
	[sflag:s23] =	ssyncadd.s32 $0xFFFFFFFF  }
0xa5: {  	s26 =	simm.s32 $execute0_lowered;
	[smem:$0x3FD2] =	sst s25  }
0xa6: {  	s5 =	sshll.u32 s26, $0x1;
	_ =	strace $0x80000046;
	[dreg:$0x1] =	wrdreg $0xFFFFFFFF  }
0xa7: {  	s28 =	simm.s32 $_size_execute0_lowered;
	s3 =	sadd.s32 s3, s5;
	[dreg:$0x0] =	wrdreg $0x0  }
0xa8: {  	s5 =	sshll.u32 s28, $0x1;
	[dreg:$0x2] =	wrdreg s3  }
0xa9: {  	[dreg:$0x3] =	wrdreg s5  }
0xaa: {  	[dreg:$0x4] =	wrdreg $0xC0  }
0xab: {  	_ =	task [dreg:s7], $0x5FFFF  }
0xac: {  	[dreg:$0x1] =	wrdreg $0xFFFFFFFF  }
0xad: {  	[dreg:$0x0] =	wrdreg $0x60  }
0xae: {  	[dreg:$0x2] =	wrdreg s2  }
0xaf: {  	[dreg:$0x3] =	wrdreg s24  }
0xb0: {  	[dreg:$0x4] =	wrdreg $0x9  }
0xb1: {  	_ =	task.clear_ibuf [dreg:s7], $0x5FFFF;
	_ =	strace $0x90000046  }
0xb2: {  	s29 =	simm.s32 $0x9;
	_ =	strace $0x80000048  }
0xb3: {  	_ =	swait.ge [sflag:s29], $0x1  }
0xb4: {  	[sflag:s29] =	ssyncadd.s32 $0xFFFFFFFF  }
0xb5: {  	_ =	strace $0x90000048  }
0xb6: {  	_ =	sfence  }
0xb7: {  	s30 =	sld [smem:$0x0];
	_ =	sdelay $0x2  }
0xb8: {  	s31 =	sshll.u32 s1, $0xD;
	s1 =	sshrl.u32 s1, $0x2  }
0xb9: {  	s3 =	sand.u32 $0x4000, s31;
	s1 =	sadd.s32 s1, s30  }
0xba: {  	s0 =	sor.u32 s3, s0;
	s1 =	sshll.u32 s1, $0x11  }
0xbb: {  	s0 =	sor.u32 s1, s0  }
0xbc: {  	s0 =	sadd.s32 $0x8F2B, s0  }
0xbd: {  	[sflag:s0] =	ssyncadd.remote.s32 $0x1  }
0xbe: {  	_ =	sfence.sel $0xFFFF  }
0xbf: {  	[dreg:$0x0] =	wrdreg $0xFFFFFFFF;
	(pc) =	sbr.abs _section_cstart, $3  }
0xc0: {  	[dreg:$0x1] =	wrdreg $0xFFFFFFFF  }
0xc1: {  	_ =	task.clear_ibuf [dreg:s7], $0x2FFFF;
	_ =	strace $0x9FFFFFFF  }
0xc2: {  	(tm) =	ssettm $0x7FFFFFFF  }
0xc3: {  	_ =	shalt  }
tec
execute0_lowered:
.L_overlay_start_1:
0x0: {  	(tag) =	ssettag $0x1  }
0x1: {  	s2 =	rddreg [dreg:$0x0]  }
0x2: {  	s1 =	srdreg.scid;
	s0 =	stileid.u32  }
0x3: {  	s4 =	rddreg [dreg:$0x1];
	s3 =	simm.s32 $0x0;
	s11 =	simm.s32 $0x5  }
0x4: {  	s12 =	simm.s32 $0x2C00;
	s13 =	simm.s32 $0x80;
	s14 =	simm.s32 $0x5800  }
0x5: {  	s15 =	simm.s32 $0x9800;
	s16 =	simm.s32 $0xD800;
	s17 =	simm.s32 $0x2C80  }
0x6: {  	s18 =	simm.s32 $0x11800;
	s19 =	simm.s32 $0x1;
	s20 =	simm.s32 $0x2  }
0x7: {  	s21 =	simm.s32 $0x3;
	s5 =	sand.u32 $0x1, s1;
	s6 =	sshll.u32 s0, $0x1  }
0x8: {  	s22 =	simm.s32 $0x4;
	s23 =	simm.s32 $0x0;
	s6 =	sor.u32 s5, s6  }
0x9: {  	s1 =	rddreg [dreg:$0x2];
	s8 =	ssub.s32 $0x2, s5;
	s7 =	smul.u32 $0x580, s6  }
0xa: {  	[smem:$0x7FF] =	sst s3;
	s9 =	smul.u32 $0x144000, s6;
	s10 =	sshrl.u32 s8, $0x1  }
0xb: {  	_ =	strace $0x80000047;
	s5 =	smul.u32 $0x51, s6;
	s10 =	ssub.s32 s8, s10  }
0xc: {  	s7 =	sadd.s32 s7, s4;
	s4 =	sadd.s32 $0x22600, s4;
	s9 =	sshrl.u32 s9, $0x3  }
0xd: {  	s8 =	sadd.s32 $0x1, s5;
	s10 =	smax.u32 s10, $0x1;
	s9 =	sadd.s32 s4, s9  }
0xe: {  	s6 =	sadd.s32 $0x17600, s7;
	s7 =	sadd.s32 $0xC600, s7;
	s9 =	sadd.s32 $0x28000, s9  }
.LBB2_1:
0xf: {  	[tilespmem:s3], [sflag:$0x5] =	stream.linear.gather [hbm4b:s6+s3], $0x2880, $0x38;
	[tilespmem:$0x15800] =	vst v63  }
0x10: {  	_ =	swait.ge [sflag:s11], $0x2880  }
0x11: {  	[sflag:s11] =	ssyncset.done $0x0  }
0x12: {  	[sflag:s11] =	ssyncadd.s32 $0xFFFFD780  }
0x13: {  	[tilespmem:s12], [sflag:$0x5] =	stream.linear.gather [hbm4b:s7+s3], $0x2880, $0x38;
	[tilespmem:$0x15800] =	vst v63  }
0x14: {  	_ =	swait.ge [sflag:s11], $0x2880  }
0x15: {  	[sflag:s11] =	ssyncset.done $0x0  }
0x16: {  	[sflag:s11] =	ssyncadd.s32 $0xFFFFD780  }
0x17: {  	[tilespmem:s14], [sflag:$0x1] =	stream.indirect.gather [hbm4b:s2+s13], $0x80, s3, s13, $0xb8;
	[tilespmem:$0x15800] =	vst v63  }
0x18: {  	_ = 	snop  }
0x19: {  	[tilespmem:s15], [sflag:$0x2] =	stream.indirect.gather [hbm4b:s2+s13], $0x80, s12, s13, $0xb8;
	[tilespmem:$0x15800] =	vst v63  }
0x1a: {  	_ = 	snop  }
0x1b: {  	[tilespmem:s16], [sflag:$0x3] =	stream.indirect.gather [hbm4b:s2+s13], $0x80, s13, s13, $0xb8;
	[tilespmem:$0x15800] =	vst v63  }
0x1c: {  	s24 =	simm.s32 $0x0  }
0x1d: {  	[tilespmem:s18], [sflag:$0x4] =	stream.indirect.gather [hbm4b:s2+s13], $0x80, s17, s13, $0xb8;
	[tilespmem:$0x15800] =	vst v63  }
.LBB2_2:
0x1e: {  	_ =	swait.ge [sflag:s19], $0x4000  }
0x1f: {  	[sflag:s19] =	ssyncset.done $0x0  }
0x20: {  	[sflag:s19] =	ssyncadd.s32 $0xFFFFC000  }
0x21: {  	_ =	swait.ge [sflag:s20], $0x4000  }
0x22: {  	[sflag:s20] =	ssyncset.done $0x0  }
0x23: {  	s25 =	simm.s32 $0x0;
	[sflag:s20] =	ssyncadd.s32 $0xFFFFC000  }
0x24: {  	v3 =	vld [tilespmem:s25+$0x5830]  }
0x25: {  	v1 =	vld [tilespmem:s25+$0x5800]  }
0x26: {  	v0 =	vld [tilespmem:s25+$0x5810]  }
0x27: {  	s26 =	simm.s32 $0x200;
	v2 =	vld [tilespmem:s25+$0x5820]  }
.LBB2_3:
0x28: {  	p0 =	sne.s32 s26, $0xFE00  }
.Ltmp0:
0x29: {  	s28 =	sshra.s32 s26, $0x2;
	s26 =	sadd.s32 $0x200, s26;
	[tilespmem:s25+$0x9830] =	vst v3;
	(pc) =	sbr.rel @p0 .LBB2_3-.Ltmp0, $4  }
0x2a: {  	v3 =	vld [tilespmem:s28+$0x5830];
	[tilespmem:s25+$0x9800] =	vst v1  }
0x2b: {  	v1 =	vld [tilespmem:s28+$0x5800];
	[tilespmem:s25+$0x9810] =	vst v0  }
0x2c: {  	v0 =	vld [tilespmem:s28+$0x5810];
	[tilespmem:s25+$0x9820] =	vst v2;
	s25 =	smov.u32 s28  }
0x2d: {  	v2 =	vld [tilespmem:s25+$0x5820]  }
0x2e: {  	_ = 	snop  }
0x2f: {  	s26 =	sshll.u32 s24, $0x1;
	[tilespmem:s25+$0x9830] =	vst v3  }
0x30: {  	s28 =	sadd.s32 s5, s26;
	[tilespmem:s25+$0x9800] =	vst v1  }
0x31: {  	s28 =	sshll.u32 s28, $0xB;
	[tilespmem:s25+$0x9810] =	vst v0  }
0x32: {  	s31 =	sadd.s32 s4, s28;
	s28 =	simm.s32 $0x0;
	[tilespmem:s25+$0x9820] =	vst v2  }
0x33: {  	[hbm4b:s31+s28] =	stream.linear.scatter [tilespmem:s15], [sflag:$0x5], $0x4000, $0x38;
	[tilespmem:$0x15800] =	vst v63  }
0x34: {  	_ =	swait.ge [sflag:s11], $0x4000  }
0x35: {  	s25 =	sshll.u32 s24, $0x8;
	[sflag:s11] =	ssyncset.done $0x0  }
0x36: {  	s28 =	sadd.s32 $0x100, s25;
	[sflag:s11] =	ssyncadd.s32 $0xFFFFC000  }
0x37: {  	[tilespmem:s14], [sflag:$0x1] =	stream.indirect.gather [hbm4b:s2+s13], $0x80, s28, s13, $0xb8;
	[tilespmem:$0x15800] =	vst v63  }
0x38: {  	s28 =	sadd.s32 $0x2D00, s25  }
0x39: {  	[tilespmem:s15], [sflag:$0x2] =	stream.indirect.gather [hbm4b:s2+s13], $0x80, s28, s13, $0xb8;
	[tilespmem:$0x15800] =	vst v63  }
0x3a: {  	_ =	swait.ge [sflag:s21], $0x4000  }
0x3b: {  	[sflag:s21] =	ssyncset.done $0x0  }
0x3c: {  	[sflag:s21] =	ssyncadd.s32 $0xFFFFC000  }
0x3d: {  	_ =	swait.ge [sflag:s22], $0x4000  }
0x3e: {  	[sflag:s22] =	ssyncset.done $0x0  }
0x3f: {  	s28 =	simm.s32 $0x0;
	[sflag:s22] =	ssyncadd.s32 $0xFFFFC000  }
0x40: {  	v3 =	vld [tilespmem:s28+$0xD830]  }
0x41: {  	v1 =	vld [tilespmem:s28+$0xD800]  }
0x42: {  	v0 =	vld [tilespmem:s28+$0xD810]  }
0x43: {  	s29 =	simm.s32 $0x200;
	v2 =	vld [tilespmem:s28+$0xD820]  }
.LBB2_5:
0x44: {  	p0 =	sne.s32 s29, $0xFE00  }
.Ltmp1:
0x45: {  	s30 =	sshra.s32 s29, $0x2;
	s29 =	sadd.s32 $0x200, s29;
	[tilespmem:s28+$0x11830] =	vst v3;
	(pc) =	sbr.rel @p0 .LBB2_5-.Ltmp1, $4  }
0x46: {  	v3 =	vld [tilespmem:s30+$0xD830];
	[tilespmem:s28+$0x11800] =	vst v1  }
0x47: {  	v1 =	vld [tilespmem:s30+$0xD800];
	[tilespmem:s28+$0x11810] =	vst v0  }
0x48: {  	v0 =	vld [tilespmem:s30+$0xD810];
	[tilespmem:s28+$0x11820] =	vst v2;
	s28 =	smov.u32 s30  }
0x49: {  	v2 =	vld [tilespmem:s28+$0xD820]  }
0x4a: {  	_ = 	snop  }
0x4b: {  	s26 =	sadd.s32 s26, s8;
	[tilespmem:s28+$0x11830] =	vst v3  }
0x4c: {  	s26 =	sshll.u32 s26, $0xB;
	[tilespmem:s28+$0x11800] =	vst v1  }
0x4d: {  	p0 =	seq.s32 s24, $0x27;
	s26 =	sand.u32 $0x1FFFF800, s26;
	[tilespmem:s28+$0x11810] =	vst v0  }
.Ltmp2:
0x4e: {  	s26 =	sadd.s32 s4, s26;
	[tilespmem:s28+$0x11820] =	vst v2;
	(pc) =	sbr.rel @p0 .LBB2_8-.Ltmp2, $4  }
0x4f: {  	[hbm4b:s26+s3] =	stream.linear.scatter [tilespmem:s18], [sflag:$0x5], $0x4000, $0x38;
	[tilespmem:$0x15800] =	vst v63  }
0x50: {  	_ =	swait.ge [sflag:s11], $0x4000  }
0x51: {  	[sflag:s11] =	ssyncset.done $0x0  }
0x52: {  	[sflag:s11] =	ssyncadd.s32 $0xFFFFC000  }
.Ltmp3:
0x53: {  	(pc) =	sbr.rel .LBB2_2-.Ltmp3, $4  }
0x54: {  	s26 =	sadd.s32 $0x180, s25  }
0x55: {  	[tilespmem:s16], [sflag:$0x3] =	stream.indirect.gather [hbm4b:s2+s13], $0x80, s26, s13, $0xb8;
	[tilespmem:$0x15800] =	vst v63  }
0x56: {  	s31 =	sadd.s32 $0x2D80, s25;
	s24 =	sadd.s32 $0x1, s24  }
0x57: {  	[tilespmem:s18], [sflag:$0x4] =	stream.indirect.gather [hbm4b:s2+s13], $0x80, s31, s13, $0xb8;
	[tilespmem:$0x15800] =	vst v63  }
.LBB2_8:
0x58: {  	_ =	swait.ge [sflag:s19], $0x4000  }
0x59: {  	[sflag:s19] =	ssyncset.done $0x0  }
0x5a: {  	[sflag:s19] =	ssyncadd.s32 $0xFFFFC000  }
0x5b: {  	_ =	swait.ge [sflag:s20], $0x4000  }
0x5c: {  	[sflag:s20] =	ssyncset.done $0x0  }
0x5d: {  	s24 =	simm.s32 $0x0;
	[sflag:s20] =	ssyncadd.s32 $0xFFFFC000  }
0x5e: {  	v0 =	vld [tilespmem:s24+$0x5830]  }
0x5f: {  	v1 =	vld [tilespmem:s24+$0x5800]  }
0x60: {  	v2 =	vld [tilespmem:s24+$0x5810]  }
0x61: {  	s25 =	simm.s32 $0x200;
	v3 =	vld [tilespmem:s24+$0x5820]  }
.LBB2_9:
0x62: {  	p0 =	sne.s32 s25, $0xFE00  }
.Ltmp4:
0x63: {  	s26 =	sshra.s32 s25, $0x2;
	s25 =	sadd.s32 $0x200, s25;
	[tilespmem:s24+$0x9830] =	vst v0;
	(pc) =	sbr.rel @p0 .LBB2_9-.Ltmp4, $4  }
0x64: {  	v0 =	vld [tilespmem:s26+$0x5830];
	[tilespmem:s24+$0x9800] =	vst v1  }
0x65: {  	v1 =	vld [tilespmem:s26+$0x5800];
	[tilespmem:s24+$0x9810] =	vst v2  }
0x66: {  	v2 =	vld [tilespmem:s26+$0x5810];
	[tilespmem:s24+$0x9820] =	vst v3;
	s24 =	smov.u32 s26  }
0x67: {  	v3 =	vld [tilespmem:s24+$0x5820]  }
0x68: {  	_ = 	snop  }
0x69: {  	[tilespmem:s24+$0x9830] =	vst v0  }
0x6a: {  	s23 =	sadd.s32 $0x1, s23;
	[tilespmem:s24+$0x9800] =	vst v1  }
0x6b: {  	p0 =	sne.s32 s23, s10;
	[tilespmem:s24+$0x9810] =	vst v2  }
.Ltmp5:
0x6c: {  	[tilespmem:s24+$0x9820] =	vst v3;
	(pc) =	sbr.rel @p0 .LBB2_1-.Ltmp5, $4  }
0x6d: {  	[hbm4b:s9+s3] =	stream.linear.scatter [tilespmem:s15], [sflag:$0x5], $0x4000, $0x38;
	[tilespmem:$0x15800] =	vst v63  }
0x6e: {  	_ =	swait.ge [sflag:s11], $0x4000  }
0x6f: {  	[sflag:s11] =	ssyncset.done $0x0  }
0x70: {  	[sflag:s11] =	ssyncadd.s32 $0xFFFFC000  }
0x71: {  	_ =	sfence.sel $0x180000  }
0x72: {  	[bflag:$0x0] =	sbarrier.arrive $0xFFFF  }
0x73: {  	p0 =	sne.s32 s0, $0x0;
	_ =	strace $0x90000047  }
0x74: {  	s0 =	sadd.s32 @!p0 $0x100000, s1;
	[bflag:$0x2] =	sbarrier.arrive $0xFFFF  }
0x75: {  	[sflag:s0] =	ssyncadd.tile.s32 @!p0 $0x1;
	_ =	shalt  }
.Lfunc_end2:
_tile_overlayer_lowered:
.L_overlay_start_2:
0x76: {  	(tag) =	ssettag $0x2  }
0x77: {  	s0 =	rddreg [dreg:$0x0];
	s2 =	stileid.u32  }
0x78: {  	s1 =	rddreg [dreg:$0x1];
	p0 =	sne.s32 s2, $0x0  }
0x79: {  	s3 =	rddreg [dreg:$0x2];
	[bflag:$0x3] =	sbarrier.arrive $0xFFFF;
	s2 =	simm.s32 @!p0 $0x1C05  }
0x7a: {  	[timem:s3], [sflag:s2] =	dma.local @!p0 [hbm:s0], s1  }
0x7b: {  	s0 =	simm.s32 @!p0 $0x5  }
0x7c: {  	_ =	swait.ge @!p0 [sflag:s0], s1  }
0x7d: {  	s1 =	ssub.s32 @!p0 $0x0, s1;
	[sflag:s0] =	ssyncset.done @!p0 $0x0  }
0x7e: {  	[sflag:s0] =	ssyncadd.s32 @!p0 s1  }
0x7f: {  	[bflag:$0x3] =	sbarrier.arrive $0xFFFF  }
0x80: {  	_ =	shalt  }

</sc_bundles>
